<compile_context>
chip_gen: v7x
topology: tpu7x:2x2x1
jax: 0.10.2.dev20260603
libtpu: 0.0.44.dev20260713+nightly
codegen_flags: <defaults>
</compile_context>

<pallas_src>
import functools
import math

import jax
import jax.numpy as jnp
from jax import lax
from jax.experimental import pallas as pl
from jax.experimental.pallas import tpu as pltpu
from jax.experimental.pallas import tpu_sc as plsc

_MARGIN = 0.2
_P_TARGET = 0.1

_SC_ROWS = 4096
_NUM_CORES = 2
_NUM_SUBCORES = 16
_NW = _NUM_CORES * _NUM_SUBCORES
_CHUNK = 32

_RING_ROWS = 1024
_NBUF = 4

_LANES = 16
_NEG_SENTINEL = -1.0
_POS_INIT = 2.0


def _sc_part(dist, labels, c):
    rows_w = _SC_ROWS // _NW
    n_chunks = rows_w // _CHUNK
    n_full = c // _LANES
    tail_off = c - _LANES

    mesh = plsc.VectorSubcoreMesh(
        core_axis_name="c", subcore_axis_name="s",
        num_cores=_NUM_CORES, num_subcores=_NUM_SUBCORES)

    @functools.partial(
        pl.kernel,
        out_type=jax.ShapeDtypeStruct((_NW, 2, _LANES), jnp.float32),
        mesh=mesh,
        scratch_types=[
            pltpu.VMEM((_CHUNK, c), jnp.float32),
            pltpu.VMEM((rows_w,), jnp.int32),
            pltpu.VMEM((2, _LANES), jnp.float32),
        ],
        compiler_params=pltpu.CompilerParams(needs_layout_passes=False),
    )
    def sc_k(dist_hbm, labels_hbm, acc_out, chunk_v, labels_v, acc_v):
        cid = lax.axis_index("c")
        sid = lax.axis_index("s")
        wid = sid * _NUM_CORES + cid
        base = wid * rows_w
        pltpu.sync_copy(labels_hbm.at[pl.ds(base, rows_w)], labels_v)

        pos0 = jnp.full((_LANES,), _POS_INIT, jnp.float32)
        neg0 = jnp.full((_LANES,), _NEG_SENTINEL, jnp.float32)

        def chunk_body(ci, accs):
            pos_acc, neg_acc = accs
            pltpu.sync_copy(
                dist_hbm.at[pl.ds(base + ci * _CHUNK, _CHUNK)], chunk_v)

            def g_body(g, p_acc):
                row_idx = lax.iota(jnp.int32, _LANES) + g * _LANES
                col_idx = labels_v[
                    pl.ds(pl.multiple_of(ci * _CHUNK + g * _LANES, _LANES),
                          _LANES)]
                p = plsc.load_gather(chunk_v, [row_idx, col_idx])
                plsc.store_scatter(
                    chunk_v, [row_idx, col_idx],
                    jnp.full((_LANES,), _NEG_SENTINEL, jnp.float32))
                return jnp.minimum(p_acc, p)

            pos_acc = lax.fori_loop(0, _CHUNK // _LANES, g_body, pos_acc)

            def r_body(r, n_acc):
                for o in range(n_full):
                    n_acc = jnp.maximum(
                        n_acc, chunk_v[r, pl.ds(o * _LANES, _LANES)])
                if tail_off % _LANES != 0:
                    n_acc = jnp.maximum(
                        n_acc, chunk_v[r, pl.ds(tail_off, _LANES)])
                return n_acc

            neg_acc = lax.fori_loop(0, _CHUNK, r_body, neg_acc)
            return pos_acc, neg_acc

        pos_acc, neg_acc = lax.fori_loop(
            0, n_chunks, chunk_body, (pos0, neg0))
        acc_v[0, :] = -pos_acc
        acc_v[1, :] = neg_acc
        pltpu.sync_copy(acc_v, acc_out.at[wid])

    return sc_k(dist, labels)


def _tc_ring(dist, labels1, c, row_start, rows_total):
    n_blocks = rows_total // _RING_ROWS

    def body(dist_hbm, labels_hbm, out_ref, *scratch):
        bufs = scratch[:_NBUF]
        sems = scratch[_NBUF:2 * _NBUF]
        labels_v = scratch[2 * _NBUF]
        lsem = scratch[2 * _NBUF + 1]

        lcopy = pltpu.make_async_copy(
            labels_hbm.at[pl.ds(row_start, rows_total)], labels_v, lsem)
        lcopy.start()

        def dist_copy(j, idx):
            return pltpu.make_async_copy(
                dist_hbm.at[pl.ds(row_start + idx * _RING_ROWS, _RING_ROWS)],
                bufs[j], sems[j])

        for j in range(_NBUF):
            dist_copy(j, j).start()
        lcopy.wait()

        def loop(g, accs):
            pos, neg = accs
            for j in range(_NBUF):
                idx = g * _NBUF + j
                dist_copy(j, idx).wait()
                blk = bufs[j][...]
                lab = labels_v[pl.ds(idx * _RING_ROWS, _RING_ROWS)]
                lab = lab.reshape(_RING_ROWS, 1)
                col = jax.lax.broadcasted_iota(jnp.int32, blk.shape, 1)
                masked = blk + jnp.where(col == lab, -2.0, 0.0)
                pos = jnp.minimum(pos, jnp.min(masked))
                neg = jnp.maximum(neg, jnp.max(masked))
                nxt = idx + _NBUF

                @pl.when(nxt < n_blocks)
                def _():
                    dist_copy(j, nxt).start()
            return pos, neg

        pos, neg = lax.fori_loop(
            0, n_blocks // _NBUF, loop,
            (jnp.float32(jnp.inf), jnp.float32(-jnp.inf)))
        out_ref[0] = pos + 2.0
        out_ref[1] = neg

    return pl.pallas_call(
        body,
        in_specs=[pl.BlockSpec(memory_space=pltpu.HBM),
                  pl.BlockSpec(memory_space=pltpu.HBM)],
        out_specs=pl.BlockSpec(memory_space=pltpu.SMEM),
        out_shape=jax.ShapeDtypeStruct((2,), jnp.float32),
        scratch_shapes=[pltpu.VMEM((_RING_ROWS, c), jnp.float32)] * _NBUF
        + [pltpu.SemaphoreType.DMA] * _NBUF
        + [pltpu.VMEM((rows_total,), jnp.int32),
           pltpu.SemaphoreType.DMA],
    )(dist, labels1)


@jax.jit
def kernel(dist, labels):
    b, c = dist.shape

    tc_out = _tc_ring(dist, labels, c, _SC_ROWS, b - _SC_ROWS)
    sc_acc = _sc_part(dist, labels, c)
    sc_m = jnp.max(sc_acc, axis=(0, 2))
    pos_min = jnp.minimum(tc_out[0], -sc_m[0])
    neg_max = jnp.maximum(tc_out[1], sc_m[1])

    pos_theta = jnp.arccos(pos_min)
    neg_theta = jnp.arccos(neg_max)
    return _P_TARGET * jnp.maximum(pos_theta, _MARGIN) + (
        _P_TARGET - 1.0
    ) * jnp.minimum(neg_theta, 0.5 * math.pi - _MARGIN)

# --- scband reference (transcript-rebuilt; emitter-appended) ---
"""Pipeline reference for scband-distribute-loss-91242285236540 (READ-ONLY COPY).

The authoritative reference and input builder live on the scoring server;
editing this copy changes nothing except your own understanding.
"""

import jax, jax.numpy as jnp
import numpy as np

B = 16384
C = 1000
MARGIN = 0.2
P_TARGET = 0.1


def setup_inputs(seed: int = 0) -> dict:
    key = jax.random.key(seed)
    k1, k2 = jax.random.split(key)
    # dist values in [0, 1) so arccos is well-defined (cosine similarities)
    dist = jax.random.uniform(k1, (B, C), dtype=jnp.float32)
    labels = jax.random.randint(k2, (B,), 0, C, dtype=jnp.int32)
    return {"dist": dist, "labels": labels}


def reference(dist, labels):
    # stat_type == 'mindcf'
    b, c = dist.shape
    labels2 = labels.reshape(-1, 1)
    # positive_dist = dist.gather(1, labels)
    positive_dist = jnp.take_along_axis(dist, labels2, axis=1)
    # negative_label construction: arange scattered with -1 at label column,
    # then indices of entries != -1 -> all columns except the label column
    mask = jnp.arange(c)[None, :] != labels2  # True where column != label
    neg_idx = jnp.nonzero(mask, size=b * (c - 1))[1].reshape(b, c - 1)
    negative_dist = jnp.take_along_axis(dist, neg_idx, axis=1)
    positive_theta = jnp.arccos(positive_dist)
    negative_theta = jnp.arccos(negative_dist)
    loss = P_TARGET * jnp.max(jnp.maximum(positive_theta, MARGIN)) + (
        P_TARGET - 1.0
    ) * jnp.min(jnp.minimum(negative_theta, 0.5 * np.pi - MARGIN))
    return loss

if __name__ == "__main__":
    import jax
    _d = setup_inputs()
    print(jax.jit(kernel)(*tuple(_d.values())))

</pallas_src>

<mosaic_0001>
#map = affine_map<(d0, d1) -> (0, 0)>
#map1 = affine_map<(d0, d1) -> (0)>
#map2 = affine_map<(d0, d1) -> (0, 0, 0)>
module attributes {stable_mosaic.version = 14 : i64} {
  func.func @sc_k(%arg0: i32, %arg1: i32, %arg2: memref<16384x1000xf32, #tpu.memory_space<hbm>>, %arg3: memref<16384xi32, #tpu.memory_space<hbm>>, %arg4: memref<32x2x16xf32, #tpu.memory_space<hbm>>, %arg5: memref<32x1000xf32, #tpu.memory_space<vmem>>, %arg6: memref<128xi32, #tpu.memory_space<vmem>>, %arg7: memref<2x16xf32, #tpu.memory_space<vmem>>) attributes {dimension_semantics = [#tpu.dimension_semantics<core_parallel>, #tpu.dimension_semantics<subcore_parallel>], iteration_bounds = array<i64: 2, 16>, scalar_prefetch = 0 : i64, scratch_operands = 3 : i64, tpu.core_type = #tpu.core_type<sc_vector_subcore>, window_params = [{transform_indices = #map}, {transform_indices = #map1}, {transform_indices = #map2}]} {
    %mul3A = arith.constant 2 : i32
    %mul3A_0 = arith.muli %arg1, %mul3A : i32
    %add3A = arith.addi %mul3A_0, %arg0 : i32
    %mul3A_1 = arith.constant 128 : i32
    %mul3A_2 = arith.muli %add3A, %mul3A_1 : i32
    "tpu.region"() ({
      %run_scoped3A = tpu.sem_alloc : memref<!tpu.dma_semaphore, #tpu.memory_space<semaphore_mem>>
      %dma_start3A = tpu.memref_slice %arg3[%mul3A_2] : memref<16384xi32, #tpu.memory_space<hbm>> -> memref<128xi32, #tpu.memory_space<hbm>>
      %dma_start3A_20 = tpu.memref_slice %arg3[%mul3A_2] : memref<16384xi32, #tpu.memory_space<hbm>> -> memref<128xi32, #tpu.memory_space<hbm>>
      tpu.enqueue_dma source(%dma_start3A_20 : memref<128xi32, #tpu.memory_space<hbm>>) target(%arg6 : memref<128xi32, #tpu.memory_space<vmem>>) target_semaphore(%run_scoped3A : memref<!tpu.dma_semaphore, #tpu.memory_space<semaphore_mem>>)
      %dma_wait3A = tpu.memref_slice %arg3[%mul3A_2] : memref<16384xi32, #tpu.memory_space<hbm>> -> memref<128xi32, #tpu.memory_space<hbm>>
      %dma_wait3A_21 = tpu.memref_slice %arg3[%mul3A_2] : memref<16384xi32, #tpu.memory_space<hbm>> -> memref<128xi32, #tpu.memory_space<hbm>>
      tpu.wait_dma2 semaphore(%run_scoped3A : memref<!tpu.dma_semaphore, #tpu.memory_space<semaphore_mem>>) src(%dma_wait3A_21 : memref<128xi32, #tpu.memory_space<hbm>>) dst(%arg6 : memref<128xi32, #tpu.memory_space<vmem>>)
      tpu.yield
    }) : () -> ()
    %broadcast_in_dim3A = arith.constant 2.000000e+00 : f32
    %broadcast_in_dim3A_3 = vector.broadcast %broadcast_in_dim3A : f32 to vector<16xf32>
    %broadcast_in_dim3A_4 = arith.constant -1.000000e+00 : f32
    %broadcast_in_dim3A_5 = vector.broadcast %broadcast_in_dim3A_4 : f32 to vector<16xf32>
    %scan3A = arith.constant 0 : i32
    %scan3A_6 = arith.constant 4 : i32
    %scan3A_7 = arith.addi %scan3A, %scan3A_6 : i32
    %scan3A_8 = arith.constant 1 : i32
    %scan3A_9:2 = scf.for %scan3A_20 = %scan3A to %scan3A_7 step %scan3A_8 iter_args(%scan3A_21 = %broadcast_in_dim3A_3, %scan3A_22 = %broadcast_in_dim3A_5) -> (vector<16xf32>, vector<16xf32>)  : i32 {
      %mul3A_23 = arith.constant 32 : i32
      %mul3A_24 = arith.muli %scan3A_20, %mul3A_23 : i32
      %add3A_25 = arith.addi %mul3A_2, %mul3A_24 : i32
      "tpu.region"() ({
        %run_scoped3A = tpu.sem_alloc : memref<!tpu.dma_semaphore, #tpu.memory_space<semaphore_mem>>
        %dma_start3A = arith.constant 0 : i32
        %dma_start3A_38 = tpu.memref_slice %arg2[%add3A_25, %dma_start3A] : memref<16384x1000xf32, #tpu.memory_space<hbm>> -> memref<32x1000xf32, #tpu.memory_space<hbm>>
        %dma_start3A_39 = arith.constant 0 : i32
        %dma_start3A_40 = tpu.memref_slice %arg2[%add3A_25, %dma_start3A_39] : memref<16384x1000xf32, #tpu.memory_space<hbm>> -> memref<32x1000xf32, #tpu.memory_space<hbm>>
        tpu.enqueue_dma source(%dma_start3A_40 : memref<32x1000xf32, #tpu.memory_space<hbm>>) target(%arg5 : memref<32x1000xf32, #tpu.memory_space<vmem>>) target_semaphore(%run_scoped3A : memref<!tpu.dma_semaphore, #tpu.memory_space<semaphore_mem>>)
        %dma_wait3A = arith.constant 0 : i32
        %dma_wait3A_41 = tpu.memref_slice %arg2[%add3A_25, %dma_wait3A] : memref<16384x1000xf32, #tpu.memory_space<hbm>> -> memref<32x1000xf32, #tpu.memory_space<hbm>>
        %dma_wait3A_42 = arith.constant 0 : i32
        %dma_wait3A_43 = tpu.memref_slice %arg2[%add3A_25, %dma_wait3A_42] : memref<16384x1000xf32, #tpu.memory_space<hbm>> -> memref<32x1000xf32, #tpu.memory_space<hbm>>
        tpu.wait_dma2 semaphore(%run_scoped3A : memref<!tpu.dma_semaphore, #tpu.memory_space<semaphore_mem>>) src(%dma_wait3A_43 : memref<32x1000xf32, #tpu.memory_space<hbm>>) dst(%arg5 : memref<32x1000xf32, #tpu.memory_space<vmem>>)
        tpu.yield
      }) : () -> ()
      %scan3A_26 = arith.constant 0 : i32
      %scan3A_27 = arith.constant 2 : i32
      %scan3A_28 = arith.addi %scan3A_26, %scan3A_27 : i32
      %scan3A_29 = arith.constant 1 : i32
      %scan3A_30 = scf.for %scan3A_38 = %scan3A_26 to %scan3A_28 step %scan3A_29 iter_args(%scan3A_39 = %scan3A_21) -> (vector<16xf32>)  : i32 {
        %iota3A = tpu.iota {dimensions = array<i32: 0>} : vector<16xi32>
        %mul3A_40 = arith.constant 16 : i32
        %mul3A_41 = arith.muli %scan3A_38, %mul3A_40 : i32
        %add3A_42 = vector.broadcast %mul3A_41 : i32 to vector<16xi32>
        %add3A_43 = arith.addi %iota3A, %add3A_42 : vector<16xi32>
        %mul3A_44 = arith.constant 32 : i32
        %mul3A_45 = arith.muli %scan3A_20, %mul3A_44 : i32
        %mul3A_46 = arith.constant 16 : i32
        %mul3A_47 = arith.muli %scan3A_38, %mul3A_46 : i32
        %add3A_48 = arith.addi %mul3A_45, %mul3A_47 : i32
        %multiple_of3A = tpu.assume_multiple %add3A_48, 16 : i32
        %get3A = arith.index_cast %multiple_of3A : i32 to index
        %get3A_49 = tpu.vector_load %arg6[%get3A] {strides = array<i32>} : memref<128xi32, #tpu.memory_space<vmem>>, vector<16xi32>,
        %gather3A = tpu.vector_load_idx %arg5[%add3A_43, %get3A_49] : memref<32x1000xf32, #tpu.memory_space<vmem>>[vector<16xi32>, vector<16xi32>], vector<16xf32>,
        %broadcast_in_dim3A_50 = arith.constant -1.000000e+00 : f32
        %broadcast_in_dim3A_51 = vector.broadcast %broadcast_in_dim3A_50 : f32 to vector<16xf32>
        tpu.vector_store_idx %arg5[%add3A_43, %get3A_49], %broadcast_in_dim3A_51 : memref<32x1000xf32, #tpu.memory_space<vmem>>[vector<16xi32>, vector<16xi32>], vector<16xf32>,
        %min3A = arith.minimumf %scan3A_39, %gather3A : vector<16xf32>
        scf.yield %min3A : vector<16xf32>
      }
      %scan3A_31 = arith.constant 2 : i32
      %scan3A_32 = arith.constant 0 : i32
      %scan3A_33 = arith.constant 32 : i32
      %scan3A_34 = arith.addi %scan3A_32, %scan3A_33 : i32
      %scan3A_35 = arith.constant 1 : i32
      %scan3A_36 = scf.for %scan3A_38 = %scan3A_32 to %scan3A_34 step %scan3A_35 iter_args(%scan3A_39 = %scan3A_22) -> (vector<16xf32>)  : i32 {
        %get3A = arith.index_cast %scan3A_38 : i32 to index
        %get3A_40 = arith.constant 0 : index
        %get3A_41 = tpu.vector_load %arg5[%get3A, %get3A_40] {strides = array<i32>} : memref<32x1000xf32, #tpu.memory_space<vmem>>, vector<16xf32>,
        %max3A = arith.maximumf %scan3A_39, %get3A_41 : vector<16xf32>
        %get3A_42 = arith.index_cast %scan3A_38 : i32 to index
        %get3A_43 = arith.constant 16 : index
        %get3A_44 = tpu.vector_load %arg5[%get3A_42, %get3A_43] {strides = array<i32>} : memref<32x1000xf32, #tpu.memory_space<vmem>>, vector<16xf32>,
        %max3A_45 = arith.maximumf %max3A, %get3A_44 : vector<16xf32>
        %get3A_46 = arith.index_cast %scan3A_38 : i32 to index
        %get3A_47 = arith.constant 32 : index
        %get3A_48 = tpu.vector_load %arg5[%get3A_46, %get3A_47] {strides = array<i32>} : memref<32x1000xf32, #tpu.memory_space<vmem>>, vector<16xf32>,
        %max3A_49 = arith.maximumf %max3A_45, %get3A_48 : vector<16xf32>
        %get3A_50 = arith.index_cast %scan3A_38 : i32 to index
        %get3A_51 = arith.constant 48 : index
        %get3A_52 = tpu.vector_load %arg5[%get3A_50, %get3A_51] {strides = array<i32>} : memref<32x1000xf32, #tpu.memory_space<vmem>>, vector<16xf32>,
        %max3A_53 = arith.maximumf %max3A_49, %get3A_52 : vector<16xf32>
        %get3A_54 = arith.index_cast %scan3A_38 : i32 to index
        %get3A_55 = arith.constant 64 : index
        %get3A_56 = tpu.vector_load %arg5[%get3A_54, %get3A_55] {strides = array<i32>} : memref<32x1000xf32, #tpu.memory_space<vmem>>, vector<16xf32>,
        %max3A_57 = arith.maximumf %max3A_53, %get3A_56 : vector<16xf32>
        %get3A_58 = arith.index_cast %scan3A_38 : i32 to index
        %get3A_59 = arith.constant 80 : index
        %get3A_60 = tpu.vector_load %arg5[%get3A_58, %get3A_59] {strides = array<i32>} : memref<32x1000xf32, #tpu.memory_space<vmem>>, vector<16xf32>,
        %max3A_61 = arith.maximumf %max3A_57, %get3A_60 : vector<16xf32>
        %get3A_62 = arith.index_cast %scan3A_38 : i32 to index
        %get3A_63 = arith.constant 96 : index
        %get3A_64 = tpu.vector_load %arg5[%get3A_62, %get3A_63] {strides = array<i32>} : memref<32x1000xf32, #tpu.memory_space<vmem>>, vector<16xf32>,
        %max3A_65 = arith.maximumf %max3A_61, %get3A_64 : vector<16xf32>
        %get3A_66 = arith.index_cast %scan3A_38 : i32 to index
        %get3A_67 = arith.constant 112 : index
        %get3A_68 = tpu.vector_load %arg5[%get3A_66, %get3A_67] {strides = array<i32>} : memref<32x1000xf32, #tpu.memory_space<vmem>>, vector<16xf32>,
        %max3A_69 = arith.maximumf %max3A_65, %get3A_68 : vector<16xf32>
        %get3A_70 = arith.index_cast %scan3A_38 : i32 to index
        %get3A_71 = arith.constant 128 : index
        %get3A_72 = tpu.vector_load %arg5[%get3A_70, %get3A_71] {strides = array<i32>} : memref<32x1000xf32, #tpu.memory_space<vmem>>, vector<16xf32>,
        %max3A_73 = arith.maximumf %max3A_69, %get3A_72 : vector<16xf32>
        %get3A_74 = arith.index_cast %scan3A_38 : i32 to index
        %get3A_75 = arith.constant 144 : index
        %get3A_76 = tpu.vector_load %arg5[%get3A_74, %get3A_75] {strides = array<i32>} : memref<32x1000xf32, #tpu.memory_space<vmem>>, vector<16xf32>,
        %max3A_77 = arith.maximumf %max3A_73, %get3A_76 : vector<16xf32>
        %get3A_78 = arith.index_cast %scan3A_38 : i32 to index
        %get3A_79 = arith.constant 160 : index
        %get3A_80 = tpu.vector_load %arg5[%get3A_78, %get3A_79] {strides = array<i32>} : memref<32x1000xf32, #tpu.memory_space<vmem>>, vector<16xf32>,
        %max3A_81 = arith.maximumf %max3A_77, %get3A_80 : vector<16xf32>
        %get3A_82 = arith.index_cast %scan3A_38 : i32 to index
        %get3A_83 = arith.constant 176 : index
        %get3A_84 = tpu.vector_load %arg5[%get3A_82, %get3A_83] {strides = array<i32>} : memref<32x1000xf32, #tpu.memory_space<vmem>>, vector<16xf32>,
        %max3A_85 = arith.maximumf %max3A_81, %get3A_84 : vector<16xf32>
        %get3A_86 = arith.index_cast %scan3A_38 : i32 to index
        %get3A_87 = arith.constant 192 : index
        %get3A_88 = tpu.vector_load %arg5[%get3A_86, %get3A_87] {strides = array<i32>} : memref<32x1000xf32, #tpu.memory_space<vmem>>, vector<16xf32>,
        %max3A_89 = arith.maximumf %max3A_85, %get3A_88 : vector<16xf32>
        %get3A_90 = arith.index_cast %scan3A_38 : i32 to index
        %get3A_91 = arith.constant 208 : index
        %get3A_92 = tpu.vector_load %arg5[%get3A_90, %get3A_91] {strides = array<i32>} : memref<32x1000xf32, #tpu.memory_space<vmem>>, vector<16xf32>,
        %max3A_93 = arith.maximumf %max3A_89, %get3A_92 : vector<16xf32>
        %get3A_94 = arith.index_cast %scan3A_38 : i32 to index
        %get3A_95 = arith.constant 224 : index
        %get3A_96 = tpu.vector_load %arg5[%get3A_94, %get3A_95] {strides = array<i32>} : memref<32x1000xf32, #tpu.memory_space<vmem>>, vector<16xf32>,
        %max3A_97 = arith.maximumf %max3A_93, %get3A_96 : vector<16xf32>
        %get3A_98 = arith.index_cast %scan3A_38 : i32 to index
        %get3A_99 = arith.constant 240 : index
        %get3A_100 = tpu.vector_load %arg5[%get3A_98, %get3A_99] {strides = array<i32>} : memref<32x1000xf32, #tpu.memory_space<vmem>>, vector<16xf32>,
        %max3A_101 = arith.maximumf %max3A_97, %get3A_100 : vector<16xf32>
        %get3A_102 = arith.index_cast %scan3A_38 : i32 to index
        %get3A_103 = arith.constant 256 : index
        %get3A_104 = tpu.vector_load %arg5[%get3A_102, %get3A_103] {strides = array<i32>} : memref<32x1000xf32, #tpu.memory_space<vmem>>, vector<16xf32>,
        %max3A_105 = arith.maximumf %max3A_101, %get3A_104 : vector<16xf32>
        %get3A_106 = arith.index_cast %scan3A_38 : i32 to index
        %get3A_107 = arith.constant 272 : index
        %get3A_108 = tpu.vector_load %arg5[%get3A_106, %get3A_107] {strides = array<i32>} : memref<32x1000xf32, #tpu.memory_space<vmem>>, vector<16xf32>,
        %max3A_109 = arith.maximumf %max3A_105, %get3A_108 : vector<16xf32>
        %get3A_110 = arith.index_cast %scan3A_38 : i32 to index
        %get3A_111 = arith.constant 288 : index
        %get3A_112 = tpu.vector_load %arg5[%get3A_110, %get3A_111] {strides = array<i32>} : memref<32x1000xf32, #tpu.memory_space<vmem>>, vector<16xf32>,
        %max3A_113 = arith.maximumf %max3A_109, %get3A_112 : vector<16xf32>
        %get3A_114 = arith.index_cast %scan3A_38 : i32 to index
        %get3A_115 = arith.constant 304 : index
        %get3A_116 = tpu.vector_load %arg5[%get3A_114, %get3A_115] {strides = array<i32>} : memref<32x1000xf32, #tpu.memory_space<vmem>>, vector<16xf32>,
        %max3A_117 = arith.maximumf %max3A_113, %get3A_116 : vector<16xf32>
        %get3A_118 = arith.index_cast %scan3A_38 : i32 to index
        %get3A_119 = arith.constant 320 : index
        %get3A_120 = tpu.vector_load %arg5[%get3A_118, %get3A_119] {strides = array<i32>} : memref<32x1000xf32, #tpu.memory_space<vmem>>, vector<16xf32>,
        %max3A_121 = arith.maximumf %max3A_117, %get3A_120 : vector<16xf32>
        %get3A_122 = arith.index_cast %scan3A_38 : i32 to index
        %get3A_123 = arith.constant 336 : index
        %get3A_124 = tpu.vector_load %arg5[%get3A_122, %get3A_123] {strides = array<i32>} : memref<32x1000xf32, #tpu.memory_space<vmem>>, vector<16xf32>,
        %max3A_125 = arith.maximumf %max3A_121, %get3A_124 : vector<16xf32>
        %get3A_126 = arith.index_cast %scan3A_38 : i32 to index
        %get3A_127 = arith.constant 352 : index
        %get3A_128 = tpu.vector_load %arg5[%get3A_126, %get3A_127] {strides = array<i32>} : memref<32x1000xf32, #tpu.memory_space<vmem>>, vector<16xf32>,
        %max3A_129 = arith.maximumf %max3A_125, %get3A_128 : vector<16xf32>
        %get3A_130 = arith.index_cast %scan3A_38 : i32 to index
        %get3A_131 = arith.constant 368 : index
        %get3A_132 = tpu.vector_load %arg5[%get3A_130, %get3A_131] {strides = array<i32>} : memref<32x1000xf32, #tpu.memory_space<vmem>>, vector<16xf32>,
        %max3A_133 = arith.maximumf %max3A_129, %get3A_132 : vector<16xf32>
        %get3A_134 = arith.index_cast %scan3A_38 : i32 to index
        %get3A_135 = arith.constant 384 : index
        %get3A_136 = tpu.vector_load %arg5[%get3A_134, %get3A_135] {strides = array<i32>} : memref<32x1000xf32, #tpu.memory_space<vmem>>, vector<16xf32>,
        %max3A_137 = arith.maximumf %max3A_133, %get3A_136 : vector<16xf32>
        %get3A_138 = arith.index_cast %scan3A_38 : i32 to index
        %get3A_139 = arith.constant 400 : index
        %get3A_140 = tpu.vector_load %arg5[%get3A_138, %get3A_139] {strides = array<i32>} : memref<32x1000xf32, #tpu.memory_space<vmem>>, vector<16xf32>,
        %max3A_141 = arith.maximumf %max3A_137, %get3A_140 : vector<16xf32>
        %get3A_142 = arith.index_cast %scan3A_38 : i32 to index
        %get3A_143 = arith.constant 416 : index
        %get3A_144 = tpu.vector_load %arg5[%get3A_142, %get3A_143] {strides = array<i32>} : memref<32x1000xf32, #tpu.memory_space<vmem>>, vector<16xf32>,
        %max3A_145 = arith.maximumf %max3A_141, %get3A_144 : vector<16xf32>
        %get3A_146 = arith.index_cast %scan3A_38 : i32 to index
        %get3A_147 = arith.constant 432 : index
        %get3A_148 = tpu.vector_load %arg5[%get3A_146, %get3A_147] {strides = array<i32>} : memref<32x1000xf32, #tpu.memory_space<vmem>>, vector<16xf32>,
        %max3A_149 = arith.maximumf %max3A_145, %get3A_148 : vector<16xf32>
        %get3A_150 = arith.index_cast %scan3A_38 : i32 to index
        %get3A_151 = arith.constant 448 : index
        %get3A_152 = tpu.vector_load %arg5[%get3A_150, %get3A_151] {strides = array<i32>} : memref<32x1000xf32, #tpu.memory_space<vmem>>, vector<16xf32>,
        %max3A_153 = arith.maximumf %max3A_149, %get3A_152 : vector<16xf32>
        %get3A_154 = arith.index_cast %scan3A_38 : i32 to index
        %get3A_155 = arith.constant 464 : index
        %get3A_156 = tpu.vector_load %arg5[%get3A_154, %get3A_155] {strides = array<i32>} : memref<32x1000xf32, #tpu.memory_space<vmem>>, vector<16xf32>,
        %max3A_157 = arith.maximumf %max3A_153, %get3A_156 : vector<16xf32>
        %get3A_158 = arith.index_cast %scan3A_38 : i32 to index
        %get3A_159 = arith.constant 480 : index
        %get3A_160 = tpu.vector_load %arg5[%get3A_158, %get3A_159] {strides = array<i32>} : memref<32x1000xf32, #tpu.memory_space<vmem>>, vector<16xf32>,
        %max3A_161 = arith.maximumf %max3A_157, %get3A_160 : vector<16xf32>
        %get3A_162 = arith.index_cast %scan3A_38 : i32 to index
        %get3A_163 = arith.constant 496 : index
        %get3A_164 = tpu.vector_load %arg5[%get3A_162, %get3A_163] {strides = array<i32>} : memref<32x1000xf32, #tpu.memory_space<vmem>>, vector<16xf32>,
        %max3A_165 = arith.maximumf %max3A_161, %get3A_164 : vector<16xf32>
        %get3A_166 = arith.index_cast %scan3A_38 : i32 to index
        %get3A_167 = arith.constant 512 : index
        %get3A_168 = tpu.vector_load %arg5[%get3A_166, %get3A_167] {strides = array<i32>} : memref<32x1000xf32, #tpu.memory_space<vmem>>, vector<16xf32>,
        %max3A_169 = arith.maximumf %max3A_165, %get3A_168 : vector<16xf32>
        %get3A_170 = arith.index_cast %scan3A_38 : i32 to index
        %get3A_171 = arith.constant 528 : index
        %get3A_172 = tpu.vector_load %arg5[%get3A_170, %get3A_171] {strides = array<i32>} : memref<32x1000xf32, #tpu.memory_space<vmem>>, vector<16xf32>,
        %max3A_173 = arith.maximumf %max3A_169, %get3A_172 : vector<16xf32>
        %get3A_174 = arith.index_cast %scan3A_38 : i32 to index
        %get3A_175 = arith.constant 544 : index
        %get3A_176 = tpu.vector_load %arg5[%get3A_174, %get3A_175] {strides = array<i32>} : memref<32x1000xf32, #tpu.memory_space<vmem>>, vector<16xf32>,
        %max3A_177 = arith.maximumf %max3A_173, %get3A_176 : vector<16xf32>
        %get3A_178 = arith.index_cast %scan3A_38 : i32 to index
        %get3A_179 = arith.constant 560 : index
        %get3A_180 = tpu.vector_load %arg5[%get3A_178, %get3A_179] {strides = array<i32>} : memref<32x1000xf32, #tpu.memory_space<vmem>>, vector<16xf32>,
        %max3A_181 = arith.maximumf %max3A_177, %get3A_180 : vector<16xf32>
        %get3A_182 = arith.index_cast %scan3A_38 : i32 to index
        %get3A_183 = arith.constant 576 : index
        %get3A_184 = tpu.vector_load %arg5[%get3A_182, %get3A_183] {strides = array<i32>} : memref<32x1000xf32, #tpu.memory_space<vmem>>, vector<16xf32>,
        %max3A_185 = arith.maximumf %max3A_181, %get3A_184 : vector<16xf32>
        %get3A_186 = arith.index_cast %scan3A_38 : i32 to index
        %get3A_187 = arith.constant 592 : index
        %get3A_188 = tpu.vector_load %arg5[%get3A_186, %get3A_187] {strides = array<i32>} : memref<32x1000xf32, #tpu.memory_space<vmem>>, vector<16xf32>,
        %max3A_189 = arith.maximumf %max3A_185, %get3A_188 : vector<16xf32>
        %get3A_190 = arith.index_cast %scan3A_38 : i32 to index
        %get3A_191 = arith.constant 608 : index
        %get3A_192 = tpu.vector_load %arg5[%get3A_190, %get3A_191] {strides = array<i32>} : memref<32x1000xf32, #tpu.memory_space<vmem>>, vector<16xf32>,
        %max3A_193 = arith.maximumf %max3A_189, %get3A_192 : vector<16xf32>
        %get3A_194 = arith.index_cast %scan3A_38 : i32 to index
        %get3A_195 = arith.constant 624 : index
        %get3A_196 = tpu.vector_load %arg5[%get3A_194, %get3A_195] {strides = array<i32>} : memref<32x1000xf32, #tpu.memory_space<vmem>>, vector<16xf32>,
        %max3A_197 = arith.maximumf %max3A_193, %get3A_196 : vector<16xf32>
        %get3A_198 = arith.index_cast %scan3A_38 : i32 to index
        %get3A_199 = arith.constant 640 : index
        %get3A_200 = tpu.vector_load %arg5[%get3A_198, %get3A_199] {strides = array<i32>} : memref<32x1000xf32, #tpu.memory_space<vmem>>, vector<16xf32>,
        %max3A_201 = arith.maximumf %max3A_197, %get3A_200 : vector<16xf32>
        %get3A_202 = arith.index_cast %scan3A_38 : i32 to index
        %get3A_203 = arith.constant 656 : index
        %get3A_204 = tpu.vector_load %arg5[%get3A_202, %get3A_203] {strides = array<i32>} : memref<32x1000xf32, #tpu.memory_space<vmem>>, vector<16xf32>,
        %max3A_205 = arith.maximumf %max3A_201, %get3A_204 : vector<16xf32>
        %get3A_206 = arith.index_cast %scan3A_38 : i32 to index
        %get3A_207 = arith.constant 672 : index
        %get3A_208 = tpu.vector_load %arg5[%get3A_206, %get3A_207] {strides = array<i32>} : memref<32x1000xf32, #tpu.memory_space<vmem>>, vector<16xf32>,
        %max3A_209 = arith.maximumf %max3A_205, %get3A_208 : vector<16xf32>
        %get3A_210 = arith.index_cast %scan3A_38 : i32 to index
        %get3A_211 = arith.constant 688 : index
        %get3A_212 = tpu.vector_load %arg5[%get3A_210, %get3A_211] {strides = array<i32>} : memref<32x1000xf32, #tpu.memory_space<vmem>>, vector<16xf32>,
        %max3A_213 = arith.maximumf %max3A_209, %get3A_212 : vector<16xf32>
        %get3A_214 = arith.index_cast %scan3A_38 : i32 to index
        %get3A_215 = arith.constant 704 : index
        %get3A_216 = tpu.vector_load %arg5[%get3A_214, %get3A_215] {strides = array<i32>} : memref<32x1000xf32, #tpu.memory_space<vmem>>, vector<16xf32>,
        %max3A_217 = arith.maximumf %max3A_213, %get3A_216 : vector<16xf32>
        %get3A_218 = arith.index_cast %scan3A_38 : i32 to index
        %get3A_219 = arith.constant 720 : index
        %get3A_220 = tpu.vector_load %arg5[%get3A_218, %get3A_219] {strides = array<i32>} : memref<32x1000xf32, #tpu.memory_space<vmem>>, vector<16xf32>,
        %max3A_221 = arith.maximumf %max3A_217, %get3A_220 : vector<16xf32>
        %get3A_222 = arith.index_cast %scan3A_38 : i32 to index
        %get3A_223 = arith.constant 736 : index
        %get3A_224 = tpu.vector_load %arg5[%get3A_222, %get3A_223] {strides = array<i32>} : memref<32x1000xf32, #tpu.memory_space<vmem>>, vector<16xf32>,
        %max3A_225 = arith.maximumf %max3A_221, %get3A_224 : vector<16xf32>
        %get3A_226 = arith.index_cast %scan3A_38 : i32 to index
        %get3A_227 = arith.constant 752 : index
        %get3A_228 = tpu.vector_load %arg5[%get3A_226, %get3A_227] {strides = array<i32>} : memref<32x1000xf32, #tpu.memory_space<vmem>>, vector<16xf32>,
        %max3A_229 = arith.maximumf %max3A_225, %get3A_228 : vector<16xf32>
        %get3A_230 = arith.index_cast %scan3A_38 : i32 to index
        %get3A_231 = arith.constant 768 : index
        %get3A_232 = tpu.vector_load %arg5[%get3A_230, %get3A_231] {strides = array<i32>} : memref<32x1000xf32, #tpu.memory_space<vmem>>, vector<16xf32>,
        %max3A_233 = arith.maximumf %max3A_229, %get3A_232 : vector<16xf32>
        %get3A_234 = arith.index_cast %scan3A_38 : i32 to index
        %get3A_235 = arith.constant 784 : index
        %get3A_236 = tpu.vector_load %arg5[%get3A_234, %get3A_235] {strides = array<i32>} : memref<32x1000xf32, #tpu.memory_space<vmem>>, vector<16xf32>,
        %max3A_237 = arith.maximumf %max3A_233, %get3A_236 : vector<16xf32>
        %get3A_238 = arith.index_cast %scan3A_38 : i32 to index
        %get3A_239 = arith.constant 800 : index
        %get3A_240 = tpu.vector_load %arg5[%get3A_238, %get3A_239] {strides = array<i32>} : memref<32x1000xf32, #tpu.memory_space<vmem>>, vector<16xf32>,
        %max3A_241 = arith.maximumf %max3A_237, %get3A_240 : vector<16xf32>
        %get3A_242 = arith.index_cast %scan3A_38 : i32 to index
        %get3A_243 = arith.constant 816 : index
        %get3A_244 = tpu.vector_load %arg5[%get3A_242, %get3A_243] {strides = array<i32>} : memref<32x1000xf32, #tpu.memory_space<vmem>>, vector<16xf32>,
        %max3A_245 = arith.maximumf %max3A_241, %get3A_244 : vector<16xf32>
        %get3A_246 = arith.index_cast %scan3A_38 : i32 to index
        %get3A_247 = arith.constant 832 : index
        %get3A_248 = tpu.vector_load %arg5[%get3A_246, %get3A_247] {strides = array<i32>} : memref<32x1000xf32, #tpu.memory_space<vmem>>, vector<16xf32>,
        %max3A_249 = arith.maximumf %max3A_245, %get3A_248 : vector<16xf32>
        %get3A_250 = arith.index_cast %scan3A_38 : i32 to index
        %get3A_251 = arith.constant 848 : index
        %get3A_252 = tpu.vector_load %arg5[%get3A_250, %get3A_251] {strides = array<i32>} : memref<32x1000xf32, #tpu.memory_space<vmem>>, vector<16xf32>,
        %max3A_253 = arith.maximumf %max3A_249, %get3A_252 : vector<16xf32>
        %get3A_254 = arith.index_cast %scan3A_38 : i32 to index
        %get3A_255 = arith.constant 864 : index
        %get3A_256 = tpu.vector_load %arg5[%get3A_254, %get3A_255] {strides = array<i32>} : memref<32x1000xf32, #tpu.memory_space<vmem>>, vector<16xf32>,
        %max3A_257 = arith.maximumf %max3A_253, %get3A_256 : vector<16xf32>
        %get3A_258 = arith.index_cast %scan3A_38 : i32 to index
        %get3A_259 = arith.constant 880 : index
        %get3A_260 = tpu.vector_load %arg5[%get3A_258, %get3A_259] {strides = array<i32>} : memref<32x1000xf32, #tpu.memory_space<vmem>>, vector<16xf32>,
        %max3A_261 = arith.maximumf %max3A_257, %get3A_260 : vector<16xf32>
        %get3A_262 = arith.index_cast %scan3A_38 : i32 to index
        %get3A_263 = arith.constant 896 : index
        %get3A_264 = tpu.vector_load %arg5[%get3A_262, %get3A_263] {strides = array<i32>} : memref<32x1000xf32, #tpu.memory_space<vmem>>, vector<16xf32>,
        %max3A_265 = arith.maximumf %max3A_261, %get3A_264 : vector<16xf32>
        %get3A_266 = arith.index_cast %scan3A_38 : i32 to index
        %get3A_267 = arith.constant 912 : index
        %get3A_268 = tpu.vector_load %arg5[%get3A_266, %get3A_267] {strides = array<i32>} : memref<32x1000xf32, #tpu.memory_space<vmem>>, vector<16xf32>,
        %max3A_269 = arith.maximumf %max3A_265, %get3A_268 : vector<16xf32>
        %get3A_270 = arith.index_cast %scan3A_38 : i32 to index
        %get3A_271 = arith.constant 928 : index
        %get3A_272 = tpu.vector_load %arg5[%get3A_270, %get3A_271] {strides = array<i32>} : memref<32x1000xf32, #tpu.memory_space<vmem>>, vector<16xf32>,
        %max3A_273 = arith.maximumf %max3A_269, %get3A_272 : vector<16xf32>
        %get3A_274 = arith.index_cast %scan3A_38 : i32 to index
        %get3A_275 = arith.constant 944 : index
        %get3A_276 = tpu.vector_load %arg5[%get3A_274, %get3A_275] {strides = array<i32>} : memref<32x1000xf32, #tpu.memory_space<vmem>>, vector<16xf32>,
        %max3A_277 = arith.maximumf %max3A_273, %get3A_276 : vector<16xf32>
        %get3A_278 = arith.index_cast %scan3A_38 : i32 to index
        %get3A_279 = arith.constant 960 : index
        %get3A_280 = tpu.vector_load %arg5[%get3A_278, %get3A_279] {strides = array<i32>} : memref<32x1000xf32, #tpu.memory_space<vmem>>, vector<16xf32>,
        %max3A_281 = arith.maximumf %max3A_277, %get3A_280 : vector<16xf32>
        %get3A_282 = arith.index_cast %scan3A_38 : i32 to index
        %get3A_283 = arith.constant 976 : index
        %get3A_284 = tpu.vector_load %arg5[%get3A_282, %get3A_283] {strides = array<i32>} : memref<32x1000xf32, #tpu.memory_space<vmem>>, vector<16xf32>,
        %max3A_285 = arith.maximumf %max3A_281, %get3A_284 : vector<16xf32>
        %get3A_286 = arith.index_cast %scan3A_38 : i32 to index
        %get3A_287 = arith.constant 984 : index
        %get3A_288 = tpu.vector_load %arg5[%get3A_286, %get3A_287] {strides = array<i32>} : memref<32x1000xf32, #tpu.memory_space<vmem>>, vector<16xf32>,
        %max3A_289 = arith.maximumf %max3A_285, %get3A_288 : vector<16xf32>
        scf.yield %max3A_289 : vector<16xf32>
      }
      %scan3A_37 = arith.constant 32 : i32
      scf.yield %scan3A_30, %scan3A_36 : vector<16xf32>, vector<16xf32>
    }
    %scan3A_10 = arith.constant 4 : i32
    %neg3A = arith.constant 0.000000e+00 : f32
    %neg3A_11 = vector.broadcast %neg3A : f32 to vector<16xf32>
    %neg3A_12 = arith.subf %neg3A_11, %scan3A_9#0 : vector<16xf32>
    %swap3A = arith.constant 0 : i32
    %swap3A_13 = arith.index_cast %swap3A : i32 to index
    %swap3A_14 = arith.constant 0 : index
    %swap3A_15 = tpu.vector_load %arg7[%swap3A_13, %swap3A_14] {strides = array<i32>} : memref<2x16xf32, #tpu.memory_space<vmem>>, vector<16xf32>,
    tpu.vector_store %arg7[%swap3A_13, %swap3A_14], %neg3A_12 {strides = array<i32>} : memref<2x16xf32, #tpu.memory_space<vmem>>, vector<16xf32>,
    %swap3A_16 = arith.constant 1 : i32
    %swap3A_17 = arith.index_cast %swap3A_16 : i32 to index
    %swap3A_18 = arith.constant 0 : index
    %swap3A_19 = tpu.vector_load %arg7[%swap3A_17, %swap3A_18] {strides = array<i32>} : memref<2x16xf32, #tpu.memory_space<vmem>>, vector<16xf32>,
    tpu.vector_store %arg7[%swap3A_17, %swap3A_18], %scan3A_9#1 {strides = array<i32>} : memref<2x16xf32, #tpu.memory_space<vmem>>, vector<16xf32>,
    "tpu.region"() ({
      %run_scoped3A = tpu.sem_alloc : memref<!tpu.dma_semaphore, #tpu.memory_space<semaphore_mem>>
      %dma_start3A = arith.constant 0 : i32
      %dma_start3A_20 = arith.constant 0 : i32
      %dma_start3A_21 = tpu.memref_slice %arg4[%add3A, %dma_start3A, %dma_start3A_20] : memref<32x2x16xf32, #tpu.memory_space<hbm>> -> memref<1x2x16xf32, #tpu.memory_space<hbm>>
      %dma_start3A_22 = tpu.memref_squeeze %dma_start3A_21 : memref<1x2x16xf32, #tpu.memory_space<hbm>> -> memref<2x16xf32, #tpu.memory_space<hbm>>
      %dma_start3A_23 = arith.constant 0 : i32
      %dma_start3A_24 = arith.constant 0 : i32
      %dma_start3A_25 = tpu.memref_slice %arg4[%add3A, %dma_start3A_23, %dma_start3A_24] : memref<32x2x16xf32, #tpu.memory_space<hbm>> -> memref<1x2x16xf32, #tpu.memory_space<hbm>>
      %dma_start3A_26 = tpu.memref_squeeze %dma_start3A_25 : memref<1x2x16xf32, #tpu.memory_space<hbm>> -> memref<2x16xf32, #tpu.memory_space<hbm>>
      tpu.enqueue_dma source(%arg7 : memref<2x16xf32, #tpu.memory_space<vmem>>) target(%dma_start3A_26 : memref<2x16xf32, #tpu.memory_space<hbm>>) target_semaphore(%run_scoped3A : memref<!tpu.dma_semaphore, #tpu.memory_space<semaphore_mem>>)
      %dma_wait3A = arith.constant 0 : i32
      %dma_wait3A_27 = arith.constant 0 : i32
      %dma_wait3A_28 = tpu.memref_slice %arg4[%add3A, %dma_wait3A, %dma_wait3A_27] : memref<32x2x16xf32, #tpu.memory_space<hbm>> -> memref<1x2x16xf32, #tpu.memory_space<hbm>>
      %dma_wait3A_29 = tpu.memref_squeeze %dma_wait3A_28 : memref<1x2x16xf32, #tpu.memory_space<hbm>> -> memref<2x16xf32, #tpu.memory_space<hbm>>
      %dma_wait3A_30 = arith.constant 0 : i32
      %dma_wait3A_31 = arith.constant 0 : i32
      %dma_wait3A_32 = tpu.memref_slice %arg4[%add3A, %dma_wait3A_30, %dma_wait3A_31] : memref<32x2x16xf32, #tpu.memory_space<hbm>> -> memref<1x2x16xf32, #tpu.memory_space<hbm>>
      %dma_wait3A_33 = tpu.memref_squeeze %dma_wait3A_32 : memref<1x2x16xf32, #tpu.memory_space<hbm>> -> memref<2x16xf32, #tpu.memory_space<hbm>>
      tpu.wait_dma2 semaphore(%run_scoped3A : memref<!tpu.dma_semaphore, #tpu.memory_space<semaphore_mem>>) src(%arg7 : memref<2x16xf32, #tpu.memory_space<vmem>>) dst(%dma_wait3A_33 : memref<2x16xf32, #tpu.memory_space<hbm>>)
      tpu.yield
    }) : () -> ()
    return
  }
}

module attributes {stable_mosaic.version = 14 : i64} {
  func.func @body(%arg0: memref<16384x1000xf32, #tpu.memory_space<hbm>>, %arg1: memref<16384xi32, #tpu.memory_space<hbm>>, %arg2: memref<2xf32, #tpu.memory_space<smem>>, %arg3: memref<1024x1000xf32, #tpu.memory_space<vmem>>, %arg4: memref<1024x1000xf32, #tpu.memory_space<vmem>>, %arg5: memref<1024x1000xf32, #tpu.memory_space<vmem>>, %arg6: memref<1024x1000xf32, #tpu.memory_space<vmem>>, %arg7: memref<!tpu.dma_semaphore, #tpu.memory_space<semaphore_mem>>, %arg8: memref<!tpu.dma_semaphore, #tpu.memory_space<semaphore_mem>>, %arg9: memref<!tpu.dma_semaphore, #tpu.memory_space<semaphore_mem>>, %arg10: memref<!tpu.dma_semaphore, #tpu.memory_space<semaphore_mem>>, %arg11: memref<12288xi32, #tpu.memory_space<vmem>>, %arg12: memref<!tpu.dma_semaphore, #tpu.memory_space<semaphore_mem>>) attributes {dimension_semantics = [], scalar_prefetch = 0 : i64, scratch_operands = 10 : i64, tpu.core_type = #tpu.core_type<tc>} {
    %dma_start3A = arith.constant 4096 : i32
    %dma_start3A_0 = tpu.memref_slice %arg1[%dma_start3A] : memref<16384xi32, #tpu.memory_space<hbm>> -> memref<12288xi32, #tpu.memory_space<hbm>>
    tpu.enqueue_dma source(%dma_start3A_0 : memref<12288xi32, #tpu.memory_space<hbm>>) target(%arg11 : memref<12288xi32, #tpu.memory_space<vmem>>) target_semaphore(%arg12 : memref<!tpu.dma_semaphore, #tpu.memory_space<semaphore_mem>>)
    %dma_start3A_1 = arith.constant 4096 : i32
    %dma_start3A_2 = arith.constant 0 : i32
    %dma_start3A_3 = tpu.memref_slice %arg0[%dma_start3A_1, %dma_start3A_2] : memref<16384x1000xf32, #tpu.memory_space<hbm>> -> memref<1024x1000xf32, #tpu.memory_space<hbm>>
    tpu.enqueue_dma source(%dma_start3A_3 : memref<1024x1000xf32, #tpu.memory_space<hbm>>) target(%arg3 : memref<1024x1000xf32, #tpu.memory_space<vmem>>) target_semaphore(%arg7 : memref<!tpu.dma_semaphore, #tpu.memory_space<semaphore_mem>>)
    %dma_start3A_4 = arith.constant 5120 : i32
    %dma_start3A_5 = arith.constant 0 : i32
    %dma_start3A_6 = tpu.memref_slice %arg0[%dma_start3A_4, %dma_start3A_5] : memref<16384x1000xf32, #tpu.memory_space<hbm>> -> memref<1024x1000xf32, #tpu.memory_space<hbm>>
    tpu.enqueue_dma source(%dma_start3A_6 : memref<1024x1000xf32, #tpu.memory_space<hbm>>) target(%arg4 : memref<1024x1000xf32, #tpu.memory_space<vmem>>) target_semaphore(%arg8 : memref<!tpu.dma_semaphore, #tpu.memory_space<semaphore_mem>>)
    %dma_start3A_7 = arith.constant 6144 : i32
    %dma_start3A_8 = arith.constant 0 : i32
    %dma_start3A_9 = tpu.memref_slice %arg0[%dma_start3A_7, %dma_start3A_8] : memref<16384x1000xf32, #tpu.memory_space<hbm>> -> memref<1024x1000xf32, #tpu.memory_space<hbm>>
    tpu.enqueue_dma source(%dma_start3A_9 : memref<1024x1000xf32, #tpu.memory_space<hbm>>) target(%arg5 : memref<1024x1000xf32, #tpu.memory_space<vmem>>) target_semaphore(%arg9 : memref<!tpu.dma_semaphore, #tpu.memory_space<semaphore_mem>>)
    %dma_start3A_10 = arith.constant 7168 : i32
    %dma_start3A_11 = arith.constant 0 : i32
    %dma_start3A_12 = tpu.memref_slice %arg0[%dma_start3A_10, %dma_start3A_11] : memref<16384x1000xf32, #tpu.memory_space<hbm>> -> memref<1024x1000xf32, #tpu.memory_space<hbm>>
    tpu.enqueue_dma source(%dma_start3A_12 : memref<1024x1000xf32, #tpu.memory_space<hbm>>) target(%arg6 : memref<1024x1000xf32, #tpu.memory_space<vmem>>) target_semaphore(%arg10 : memref<!tpu.dma_semaphore, #tpu.memory_space<semaphore_mem>>)
    %dma_wait3A = arith.constant 4096 : i32
    %dma_wait3A_13 = tpu.memref_slice %arg1[%dma_wait3A] : memref<16384xi32, #tpu.memory_space<hbm>> -> memref<12288xi32, #tpu.memory_space<hbm>>
    tpu.wait_dma2 semaphore(%arg12 : memref<!tpu.dma_semaphore, #tpu.memory_space<semaphore_mem>>) src(%dma_wait3A_13 : memref<12288xi32, #tpu.memory_space<hbm>>) dst(%arg11 : memref<12288xi32, #tpu.memory_space<vmem>>)
    %scan3A = arith.constant 0x7F800000 : f32
    %scan3A_14 = arith.constant 0xFF800000 : f32
    %scan3A_15 = arith.constant 0 : i32
    %scan3A_16 = arith.constant 3 : i32
    %scan3A_17 = arith.addi %scan3A_15, %scan3A_16 : i32
    %scan3A_18 = arith.constant 1 : i32
    %scan3A_19:2 = scf.for %scan3A_25 = %scan3A_15 to %scan3A_17 step %scan3A_18 iter_args(%scan3A_26 = %scan3A, %scan3A_27 = %scan3A_14) -> (f32, f32)  : i32 {
      %mul3A = arith.constant 4 : i32
      %mul3A_28 = arith.muli %scan3A_25, %mul3A : i32
      %add3A_29 = arith.constant 0 : i32
      %add3A_30 = arith.addi %mul3A_28, %add3A_29 : i32
      %mul3A_31 = arith.constant 1024 : i32
      %mul3A_32 = arith.muli %add3A_30, %mul3A_31 : i32
      %add3A_33 = arith.constant 4096 : i32
      %add3A_34 = arith.addi %add3A_33, %mul3A_32 : i32
      %dma_wait3A_35 = arith.constant 0 : i32
      %dma_wait3A_36 = tpu.memref_slice %arg0[%add3A_34, %dma_wait3A_35] : memref<16384x1000xf32, #tpu.memory_space<hbm>> -> memref<1024x1000xf32, #tpu.memory_space<hbm>>
      tpu.wait_dma2 semaphore(%arg7 : memref<!tpu.dma_semaphore, #tpu.memory_space<semaphore_mem>>) src(%dma_wait3A_36 : memref<1024x1000xf32, #tpu.memory_space<hbm>>) dst(%arg3 : memref<1024x1000xf32, #tpu.memory_space<vmem>>)
      %get3A = arith.constant 0 : index
      %get3A_37 = arith.constant 0 : index
      %get3A_38 = vector.load %arg3[%get3A, %get3A_37] : memref<1024x1000xf32, #tpu.memory_space<vmem>>, vector<1024x1000xf32>
      %mul3A_39 = arith.constant 1024 : i32
      %mul3A_40 = arith.muli %add3A_30, %mul3A_39 : i32
      %get3A_41 = arith.index_cast %mul3A_40 : i32 to index
      %get3A_42 = vector.load %arg11[%get3A_41] : memref<12288xi32, #tpu.memory_space<vmem>>, vector<1024xi32>
      %reshape3A = vector.shape_cast %get3A_42 : vector<1024xi32> to vector<1024x1xi32>
      %iota3A = tpu.iota {dimensions = array<i32: 1>} : vector<1024x1000xi32>
      %eq3A = vector.broadcast %reshape3A : vector<1024x1xi32> to vector<1024x1000xi32>
      %eq3A_43 = arith.cmpi eq, %iota3A, %eq3A : vector<1024x1000xi32>
      %jit3A = arith.constant -2.000000e+00 : f32
      %jit3A_44 = arith.constant 0.000000e+00 : f32
      %broadcast_in_dim3A = vector.broadcast %jit3A : f32 to vector<1024x1000xf32>
      %broadcast_in_dim3A_45 = vector.broadcast %jit3A_44 : f32 to vector<1024x1000xf32>
      %select_n3A = arith.select %eq3A_43, %broadcast_in_dim3A, %broadcast_in_dim3A_45 : vector<1024x1000xi1>, vector<1024x1000xf32>
      %add3A_46 = arith.addf %get3A_38, %select_n3A : vector<1024x1000xf32>
      %reduce_min3A = vector.shape_cast %add3A_46 : vector<1024x1000xf32> to vector<1x1024x1000xf32>
      %reduce_min3A_47 = arith.constant dense<0x7F800000> : vector<1xf32>
      %reduce_min3A_48 = vector.multi_reduction <minimumf>, %reduce_min3A, %reduce_min3A_47 [1, 2] : vector<1x1024x1000xf32> to vector<1xf32>
      %reduce_min3A_49 = vector.shape_cast %reduce_min3A_48 : vector<1xf32> to vector<1x1x1xf32>
      %reduce_min3A_50 = vector.extract %reduce_min3A_49[0, 0, 0] : f32 from vector<1x1x1xf32>
      %min3A = arith.minimumf %scan3A_26, %reduce_min3A_50 : f32
      %reduce_max3A = vector.shape_cast %add3A_46 : vector<1024x1000xf32> to vector<1x1024x1000xf32>
      %reduce_max3A_51 = arith.constant dense<0xFF800000> : vector<1xf32>
      %reduce_max3A_52 = vector.multi_reduction <maximumf>, %reduce_max3A, %reduce_max3A_51 [1, 2] : vector<1x1024x1000xf32> to vector<1xf32>
      %reduce_max3A_53 = vector.shape_cast %reduce_max3A_52 : vector<1xf32> to vector<1x1x1xf32>
      %reduce_max3A_54 = vector.extract %reduce_max3A_53[0, 0, 0] : f32 from vector<1x1x1xf32>
      %max3A = arith.maximumf %scan3A_27, %reduce_max3A_54 : f32
      %add3A_55 = arith.constant 4 : i32
      %add3A_56 = arith.addi %add3A_30, %add3A_55 : i32
      %lt3A = arith.constant 12 : i32
      %lt3A_57 = arith.cmpi slt, %add3A_56, %lt3A : i32
      %convert_element_type3A = arith.extui %lt3A_57 : i1 to i32
      %cond3A = arith.constant 0 : i32
      %cond3A_58 = arith.cmpi ne, %convert_element_type3A, %cond3A : i32
      scf.if %cond3A_58 {
        %mul3A_197 = arith.constant 1024 : i32
        %mul3A_198 = arith.muli %add3A_56, %mul3A_197 : i32
        %add3A_199 = arith.constant 4096 : i32
        %add3A_200 = arith.addi %add3A_199, %mul3A_198 : i32
        %dma_start3A_201 = arith.constant 0 : i32
        %dma_start3A_202 = tpu.memref_slice %arg0[%add3A_200, %dma_start3A_201] : memref<16384x1000xf32, #tpu.memory_space<hbm>> -> memref<1024x1000xf32, #tpu.memory_space<hbm>>
        tpu.enqueue_dma source(%dma_start3A_202 : memref<1024x1000xf32, #tpu.memory_space<hbm>>) target(%arg3 : memref<1024x1000xf32, #tpu.memory_space<vmem>>) target_semaphore(%arg7 : memref<!tpu.dma_semaphore, #tpu.memory_space<semaphore_mem>>)
      } else {
      }
      %mul3A_59 = arith.constant 4 : i32
      %mul3A_60 = arith.muli %scan3A_25, %mul3A_59 : i32
      %add3A_61 = arith.constant 1 : i32
      %add3A_62 = arith.addi %mul3A_60, %add3A_61 : i32
      %mul3A_63 = arith.constant 1024 : i32
      %mul3A_64 = arith.muli %add3A_62, %mul3A_63 : i32
      %add3A_65 = arith.constant 4096 : i32
      %add3A_66 = arith.addi %add3A_65, %mul3A_64 : i32
      %dma_wait3A_67 = arith.constant 0 : i32
      %dma_wait3A_68 = tpu.memref_slice %arg0[%add3A_66, %dma_wait3A_67] : memref<16384x1000xf32, #tpu.memory_space<hbm>> -> memref<1024x1000xf32, #tpu.memory_space<hbm>>
      tpu.wait_dma2 semaphore(%arg8 : memref<!tpu.dma_semaphore, #tpu.memory_space<semaphore_mem>>) src(%dma_wait3A_68 : memref<1024x1000xf32, #tpu.memory_space<hbm>>) dst(%arg4 : memref<1024x1000xf32, #tpu.memory_space<vmem>>)
      %get3A_69 = arith.constant 0 : index
      %get3A_70 = arith.constant 0 : index
      %get3A_71 = vector.load %arg4[%get3A_69, %get3A_70] : memref<1024x1000xf32, #tpu.memory_space<vmem>>, vector<1024x1000xf32>
      %mul3A_72 = arith.constant 1024 : i32
      %mul3A_73 = arith.muli %add3A_62, %mul3A_72 : i32
      %get3A_74 = arith.index_cast %mul3A_73 : i32 to index
      %get3A_75 = vector.load %arg11[%get3A_74] : memref<12288xi32, #tpu.memory_space<vmem>>, vector<1024xi32>
      %reshape3A_76 = vector.shape_cast %get3A_75 : vector<1024xi32> to vector<1024x1xi32>
      %iota3A_77 = tpu.iota {dimensions = array<i32: 1>} : vector<1024x1000xi32>
      %eq3A_78 = vector.broadcast %reshape3A_76 : vector<1024x1xi32> to vector<1024x1000xi32>
      %eq3A_79 = arith.cmpi eq, %iota3A_77, %eq3A_78 : vector<1024x1000xi32>
      %jit3A_80 = arith.constant -2.000000e+00 : f32
      %jit3A_81 = arith.constant 0.000000e+00 : f32
      %broadcast_in_dim3A_82 = vector.broadcast %jit3A_80 : f32 to vector<1024x1000xf32>
      %broadcast_in_dim3A_83 = vector.broadcast %jit3A_81 : f32 to vector<1024x1000xf32>
      %select_n3A_84 = arith.select %eq3A_79, %broadcast_in_dim3A_82, %broadcast_in_dim3A_83 : vector<1024x1000xi1>, vector<1024x1000xf32>
      %add3A_85 = arith.addf %get3A_71, %select_n3A_84 : vector<1024x1000xf32>
      %reduce_min3A_86 = vector.shape_cast %add3A_85 : vector<1024x1000xf32> to vector<1x1024x1000xf32>
      %reduce_min3A_87 = arith.constant dense<0x7F800000> : vector<1xf32>
      %reduce_min3A_88 = vector.multi_reduction <minimumf>, %reduce_min3A_86, %reduce_min3A_87 [1, 2] : vector<1x1024x1000xf32> to vector<1xf32>
      %reduce_min3A_89 = vector.shape_cast %reduce_min3A_88 : vector<1xf32> to vector<1x1x1xf32>
      %reduce_min3A_90 = vector.extract %reduce_min3A_89[0, 0, 0] : f32 from vector<1x1x1xf32>
      %min3A_91 = arith.minimumf %min3A, %reduce_min3A_90 : f32
      %reduce_max3A_92 = vector.shape_cast %add3A_85 : vector<1024x1000xf32> to vector<1x1024x1000xf32>
      %reduce_max3A_93 = arith.constant dense<0xFF800000> : vector<1xf32>
      %reduce_max3A_94 = vector.multi_reduction <maximumf>, %reduce_max3A_92, %reduce_max3A_93 [1, 2] : vector<1x1024x1000xf32> to vector<1xf32>
      %reduce_max3A_95 = vector.shape_cast %reduce_max3A_94 : vector<1xf32> to vector<1x1x1xf32>
      %reduce_max3A_96 = vector.extract %reduce_max3A_95[0, 0, 0] : f32 from vector<1x1x1xf32>
      %max3A_97 = arith.maximumf %max3A, %reduce_max3A_96 : f32
      %add3A_98 = arith.constant 4 : i32
      %add3A_99 = arith.addi %add3A_62, %add3A_98 : i32
      %lt3A_100 = arith.constant 12 : i32
      %lt3A_101 = arith.cmpi slt, %add3A_99, %lt3A_100 : i32
      %convert_element_type3A_102 = arith.extui %lt3A_101 : i1 to i32
      %cond3A_103 = arith.constant 0 : i32
      %cond3A_104 = arith.cmpi ne, %convert_element_type3A_102, %cond3A_103 : i32
      scf.if %cond3A_104 {
        %mul3A_197 = arith.constant 1024 : i32
        %mul3A_198 = arith.muli %add3A_99, %mul3A_197 : i32
        %add3A_199 = arith.constant 4096 : i32
        %add3A_200 = arith.addi %add3A_199, %mul3A_198 : i32
        %dma_start3A_201 = arith.constant 0 : i32
        %dma_start3A_202 = tpu.memref_slice %arg0[%add3A_200, %dma_start3A_201] : memref<16384x1000xf32, #tpu.memory_space<hbm>> -> memref<1024x1000xf32, #tpu.memory_space<hbm>>
        tpu.enqueue_dma source(%dma_start3A_202 : memref<1024x1000xf32, #tpu.memory_space<hbm>>) target(%arg4 : memref<1024x1000xf32, #tpu.memory_space<vmem>>) target_semaphore(%arg8 : memref<!tpu.dma_semaphore, #tpu.memory_space<semaphore_mem>>)
      } else {
      }
      %mul3A_105 = arith.constant 4 : i32
      %mul3A_106 = arith.muli %scan3A_25, %mul3A_105 : i32
      %add3A_107 = arith.constant 2 : i32
      %add3A_108 = arith.addi %mul3A_106, %add3A_107 : i32
      %mul3A_109 = arith.constant 1024 : i32
      %mul3A_110 = arith.muli %add3A_108, %mul3A_109 : i32
      %add3A_111 = arith.constant 4096 : i32
      %add3A_112 = arith.addi %add3A_111, %mul3A_110 : i32
      %dma_wait3A_113 = arith.constant 0 : i32
      %dma_wait3A_114 = tpu.memref_slice %arg0[%add3A_112, %dma_wait3A_113] : memref<16384x1000xf32, #tpu.memory_space<hbm>> -> memref<1024x1000xf32, #tpu.memory_space<hbm>>
      tpu.wait_dma2 semaphore(%arg9 : memref<!tpu.dma_semaphore, #tpu.memory_space<semaphore_mem>>) src(%dma_wait3A_114 : memref<1024x1000xf32, #tpu.memory_space<hbm>>) dst(%arg5 : memref<1024x1000xf32, #tpu.memory_space<vmem>>)
      %get3A_115 = arith.constant 0 : index
      %get3A_116 = arith.constant 0 : index
      %get3A_117 = vector.load %arg5[%get3A_115, %get3A_116] : memref<1024x1000xf32, #tpu.memory_space<vmem>>, vector<1024x1000xf32>
      %mul3A_118 = arith.constant 1024 : i32
      %mul3A_119 = arith.muli %add3A_108, %mul3A_118 : i32
      %get3A_120 = arith.index_cast %mul3A_119 : i32 to index
      %get3A_121 = vector.load %arg11[%get3A_120] : memref<12288xi32, #tpu.memory_space<vmem>>, vector<1024xi32>
      %reshape3A_122 = vector.shape_cast %get3A_121 : vector<1024xi32> to vector<1024x1xi32>
      %iota3A_123 = tpu.iota {dimensions = array<i32: 1>} : vector<1024x1000xi32>
      %eq3A_124 = vector.broadcast %reshape3A_122 : vector<1024x1xi32> to vector<1024x1000xi32>
      %eq3A_125 = arith.cmpi eq, %iota3A_123, %eq3A_124 : vector<1024x1000xi32>
      %jit3A_126 = arith.constant -2.000000e+00 : f32
      %jit3A_127 = arith.constant 0.000000e+00 : f32
      %broadcast_in_dim3A_128 = vector.broadcast %jit3A_126 : f32 to vector<1024x1000xf32>
      %broadcast_in_dim3A_129 = vector.broadcast %jit3A_127 : f32 to vector<1024x1000xf32>
      %select_n3A_130 = arith.select %eq3A_125, %broadcast_in_dim3A_128, %broadcast_in_dim3A_129 : vector<1024x1000xi1>, vector<1024x1000xf32>
      %add3A_131 = arith.addf %get3A_117, %select_n3A_130 : vector<1024x1000xf32>
      %reduce_min3A_132 = vector.shape_cast %add3A_131 : vector<1024x1000xf32> to vector<1x1024x1000xf32>
      %reduce_min3A_133 = arith.constant dense<0x7F800000> : vector<1xf32>
      %reduce_min3A_134 = vector.multi_reduction <minimumf>, %reduce_min3A_132, %reduce_min3A_133 [1, 2] : vector<1x1024x1000xf32> to vector<1xf32>
      %reduce_min3A_135 = vector.shape_cast %reduce_min3A_134 : vector<1xf32> to vector<1x1x1xf32>
      %reduce_min3A_136 = vector.extract %reduce_min3A_135[0, 0, 0] : f32 from vector<1x1x1xf32>
      %min3A_137 = arith.minimumf %min3A_91, %reduce_min3A_136 : f32
      %reduce_max3A_138 = vector.shape_cast %add3A_131 : vector<1024x1000xf32> to vector<1x1024x1000xf32>
      %reduce_max3A_139 = arith.constant dense<0xFF800000> : vector<1xf32>
      %reduce_max3A_140 = vector.multi_reduction <maximumf>, %reduce_max3A_138, %reduce_max3A_139 [1, 2] : vector<1x1024x1000xf32> to vector<1xf32>
      %reduce_max3A_141 = vector.shape_cast %reduce_max3A_140 : vector<1xf32> to vector<1x1x1xf32>
      %reduce_max3A_142 = vector.extract %reduce_max3A_141[0, 0, 0] : f32 from vector<1x1x1xf32>
      %max3A_143 = arith.maximumf %max3A_97, %reduce_max3A_142 : f32
      %add3A_144 = arith.constant 4 : i32
      %add3A_145 = arith.addi %add3A_108, %add3A_144 : i32
      %lt3A_146 = arith.constant 12 : i32
      %lt3A_147 = arith.cmpi slt, %add3A_145, %lt3A_146 : i32
      %convert_element_type3A_148 = arith.extui %lt3A_147 : i1 to i32
      %cond3A_149 = arith.constant 0 : i32
      %cond3A_150 = arith.cmpi ne, %convert_element_type3A_148, %cond3A_149 : i32
      scf.if %cond3A_150 {
        %mul3A_197 = arith.constant 1024 : i32
        %mul3A_198 = arith.muli %add3A_145, %mul3A_197 : i32
        %add3A_199 = arith.constant 4096 : i32
        %add3A_200 = arith.addi %add3A_199, %mul3A_198 : i32
        %dma_start3A_201 = arith.constant 0 : i32
        %dma_start3A_202 = tpu.memref_slice %arg0[%add3A_200, %dma_start3A_201] : memref<16384x1000xf32, #tpu.memory_space<hbm>> -> memref<1024x1000xf32, #tpu.memory_space<hbm>>
        tpu.enqueue_dma source(%dma_start3A_202 : memref<1024x1000xf32, #tpu.memory_space<hbm>>) target(%arg5 : memref<1024x1000xf32, #tpu.memory_space<vmem>>) target_semaphore(%arg9 : memref<!tpu.dma_semaphore, #tpu.memory_space<semaphore_mem>>)
      } else {
      }
      %mul3A_151 = arith.constant 4 : i32
      %mul3A_152 = arith.muli %scan3A_25, %mul3A_151 : i32
      %add3A_153 = arith.constant 3 : i32
      %add3A_154 = arith.addi %mul3A_152, %add3A_153 : i32
      %mul3A_155 = arith.constant 1024 : i32
      %mul3A_156 = arith.muli %add3A_154, %mul3A_155 : i32
      %add3A_157 = arith.constant 4096 : i32
      %add3A_158 = arith.addi %add3A_157, %mul3A_156 : i32
      %dma_wait3A_159 = arith.constant 0 : i32
      %dma_wait3A_160 = tpu.memref_slice %arg0[%add3A_158, %dma_wait3A_159] : memref<16384x1000xf32, #tpu.memory_space<hbm>> -> memref<1024x1000xf32, #tpu.memory_space<hbm>>
      tpu.wait_dma2 semaphore(%arg10 : memref<!tpu.dma_semaphore, #tpu.memory_space<semaphore_mem>>) src(%dma_wait3A_160 : memref<1024x1000xf32, #tpu.memory_space<hbm>>) dst(%arg6 : memref<1024x1000xf32, #tpu.memory_space<vmem>>)
      %get3A_161 = arith.constant 0 : index
      %get3A_162 = arith.constant 0 : index
      %get3A_163 = vector.load %arg6[%get3A_161, %get3A_162] : memref<1024x1000xf32, #tpu.memory_space<vmem>>, vector<1024x1000xf32>
      %mul3A_164 = arith.constant 1024 : i32
      %mul3A_165 = arith.muli %add3A_154, %mul3A_164 : i32
      %get3A_166 = arith.index_cast %mul3A_165 : i32 to index
      %get3A_167 = vector.load %arg11[%get3A_166] : memref<12288xi32, #tpu.memory_space<vmem>>, vector<1024xi32>
      %reshape3A_168 = vector.shape_cast %get3A_167 : vector<1024xi32> to vector<1024x1xi32>
      %iota3A_169 = tpu.iota {dimensions = array<i32: 1>} : vector<1024x1000xi32>
      %eq3A_170 = vector.broadcast %reshape3A_168 : vector<1024x1xi32> to vector<1024x1000xi32>
      %eq3A_171 = arith.cmpi eq, %iota3A_169, %eq3A_170 : vector<1024x1000xi32>
      %jit3A_172 = arith.constant -2.000000e+00 : f32
      %jit3A_173 = arith.constant 0.000000e+00 : f32
      %broadcast_in_dim3A_174 = vector.broadcast %jit3A_172 : f32 to vector<1024x1000xf32>
      %broadcast_in_dim3A_175 = vector.broadcast %jit3A_173 : f32 to vector<1024x1000xf32>
      %select_n3A_176 = arith.select %eq3A_171, %broadcast_in_dim3A_174, %broadcast_in_dim3A_175 : vector<1024x1000xi1>, vector<1024x1000xf32>
      %add3A_177 = arith.addf %get3A_163, %select_n3A_176 : vector<1024x1000xf32>
      %reduce_min3A_178 = vector.shape_cast %add3A_177 : vector<1024x1000xf32> to vector<1x1024x1000xf32>
      %reduce_min3A_179 = arith.constant dense<0x7F800000> : vector<1xf32>
      %reduce_min3A_180 = vector.multi_reduction <minimumf>, %reduce_min3A_178, %reduce_min3A_179 [1, 2] : vector<1x1024x1000xf32> to vector<1xf32>
      %reduce_min3A_181 = vector.shape_cast %reduce_min3A_180 : vector<1xf32> to vector<1x1x1xf32>
      %reduce_min3A_182 = vector.extract %reduce_min3A_181[0, 0, 0] : f32 from vector<1x1x1xf32>
      %min3A_183 = arith.minimumf %min3A_137, %reduce_min3A_182 : f32
      %reduce_max3A_184 = vector.shape_cast %add3A_177 : vector<1024x1000xf32> to vector<1x1024x1000xf32>
      %reduce_max3A_185 = arith.constant dense<0xFF800000> : vector<1xf32>
      %reduce_max3A_186 = vector.multi_reduction <maximumf>, %reduce_max3A_184, %reduce_max3A_185 [1, 2] : vector<1x1024x1000xf32> to vector<1xf32>
      %reduce_max3A_187 = vector.shape_cast %reduce_max3A_186 : vector<1xf32> to vector<1x1x1xf32>
      %reduce_max3A_188 = vector.extract %reduce_max3A_187[0, 0, 0] : f32 from vector<1x1x1xf32>
      %max3A_189 = arith.maximumf %max3A_143, %reduce_max3A_188 : f32
      %add3A_190 = arith.constant 4 : i32
      %add3A_191 = arith.addi %add3A_154, %add3A_190 : i32
      %lt3A_192 = arith.constant 12 : i32
      %lt3A_193 = arith.cmpi slt, %add3A_191, %lt3A_192 : i32
      %convert_element_type3A_194 = arith.extui %lt3A_193 : i1 to i32
      %cond3A_195 = arith.constant 0 : i32
      %cond3A_196 = arith.cmpi ne, %convert_element_type3A_194, %cond3A_195 : i32
      scf.if %cond3A_196 {
        %mul3A_197 = arith.constant 1024 : i32
        %mul3A_198 = arith.muli %add3A_191, %mul3A_197 : i32
        %add3A_199 = arith.constant 4096 : i32
        %add3A_200 = arith.addi %add3A_199, %mul3A_198 : i32
        %dma_start3A_201 = arith.constant 0 : i32
        %dma_start3A_202 = tpu.memref_slice %arg0[%add3A_200, %dma_start3A_201] : memref<16384x1000xf32, #tpu.memory_space<hbm>> -> memref<1024x1000xf32, #tpu.memory_space<hbm>>
        tpu.enqueue_dma source(%dma_start3A_202 : memref<1024x1000xf32, #tpu.memory_space<hbm>>) target(%arg6 : memref<1024x1000xf32, #tpu.memory_space<vmem>>) target_semaphore(%arg10 : memref<!tpu.dma_semaphore, #tpu.memory_space<semaphore_mem>>)
      } else {
      }
      scf.yield %min3A_183, %max3A_189 : f32, f32
    }
    %scan3A_20 = arith.constant 3 : i32
    %add3A = arith.constant 2.000000e+00 : f32
    %add3A_21 = arith.addf %scan3A_19#0, %add3A : f32
    %swap3A = arith.constant 0 : index
    %swap3A_22 = memref.load %arg2[%swap3A] : memref<2xf32, #tpu.memory_space<smem>>
    memref.store %add3A_21, %arg2[%swap3A] : memref<2xf32, #tpu.memory_space<smem>>
    %swap3A_23 = arith.constant 1 : index
    %swap3A_24 = memref.load %arg2[%swap3A_23] : memref<2xf32, #tpu.memory_space<smem>>
    memref.store %scan3A_19#1, %arg2[%swap3A_23] : memref<2xf32, #tpu.memory_space<smem>>
    return
  }
}

</mosaic_0001>

<sc_bundles>
// kernel: kernel.4.cloned.1.call-start
scs
__scs_entry_jumppad:
0x0: {  	(pc) =	sbr.rel $0x88, $3  }
0x1: {  	(tag) =	ssettag $0x0;
	lr =	simm.s32 $0x1  }
0x2: {  	[smem:$0x3F9F] =	sst lr;
	_ =	strace $0xD0000000  }
0x3: {  	_ = 	snop  }
0x4: {  	_ = 	snop  }
0x5: {  	_ = 	snop  }
0x6: {  	_ = 	snop  }
0x7: {  	_ = 	snop  }
__scs_overlays_trampoline_lowered:
0x8: {  	[smem:$0x3FAE] =	sst s0  }
0x9: {  	[smem:$0x3FAF] =	sst s1  }
0xa: {  	[smem:$0x3FB0] =	sst s2  }
0xb: {  	[smem:$0x3FB1] =	sst s3  }
0xc: {  	[smem:$0x3FB2] =	sst s4  }
0xd: {  	[smem:$0x3FB3] =	sst s5  }
0xe: {  	[smem:$0x3FB4] =	sst s6  }
0xf: {  	[smem:$0x3FB5] =	sst s7  }
0x10: {  	[smem:$0x3FB6] =	sst s8  }
0x11: {  	[smem:$0x3FB7] =	sst s9;
	s0 =	simm.s32 @!p0 $0x0  }
0x12: {  	s1 =	sld [smem:$0x3F9D];
	s0 =	simm.s32 @p0 $0x1  }
0x13: {  	[smem:$0x3FB8] =	sst s0;
	s0 =	simm.s32 @!p1 $0x0  }
0x14: {  	s2 =	sld [smem:$0x3F9C];
	s0 =	simm.s32 @p1 $0x1  }
0x15: {  	[smem:$0x3FB9] =	sst s0;
	s0 =	simm.s32 @!p2 $0x0  }
0x16: {  	s3 =	sld [smem:$0x3FDB];
	s0 =	simm.s32 @p2 $0x1  }
0x17: {  	s4 =	simm.s32 $0x1BF5;
	[smem:$0x3FBB] =	sst s0  }
0x18: {  	s0 =	sld [smem:$0x3F9E];
	_ =	swait.ge [sflag:s4], $0x0  }
0x19: {  	s7 =	sld [smem:$0x3F9F]  }
0x1a: {  	s8 =	sadd.s32 $0xFFFFE003, lr  }
0x1b: {  	s9 =	sadd.s32 $0xFFFFFEF7, lr;
	s5 =	simm.s32 $0xFFFFFFFF;
	p2 =	slt.u32 s8, $0xFFFFF086  }
0x1c: {  	p1 =	slt.u32 s9, $0xF7A;
	s5 =	simm.s32 @!p2 $0x0  }
0x1d: {  	s5 =	simm.s32 @p1 $0x1;
	p0 =	seq.s32 s7, s2  }
0x1e: {  	s7 =	smul.u32 @!p0 $0xF7A, s2;
	p2 =	seq.s32 @!p0 s5, $0x0  }
0x1f: {  	s9 =	smul.u32 $0xF7A, s1;
	s8 =	simm.s32 @!p0 $0x1BF5;
	p2 =	por !p2, p0  }
0x20: {  	[sflag:s8] =	ssyncset.s32 @!p0 $0xFFFFF086;
	s6 =	sadd.s32 @!p0 s3, s7;
	s7 =	simm.s32 @!p0 $0x108  }
0x21: {  	s3 =	sadd.s32 s3, s9;
	s6 =	sadd.s32 @!p0 $0x88, s6;
	s7 =	simm.s32 @p2 $0x1082  }
0x22: {  	[simem:s7], [sflag:s8] =	dma.local @!p0 [hbm:s6], $0xF7A  }
0x23: {  	s9 =	sor.u32 $0xD0000000, s2;
	s6 =	simm.s32 $0x108;
	_ =	swait.ge @!p0 [sflag:s8], $0x0  }
0x24: {  	s3 =	sadd.s32 $0x88, s3;
	s6 =	simm.s32 @!p1 $0x1082;
	[sflag:s4] =	ssyncset.s32 $0xFFFFF086  }
0x25: {  	[simem:s6], [sflag:s4] =	dma.local [hbm:s3], $0xF7A  }
0x26: {  	[smem:$0x3F9F] =	sst s1;
	(tag) =	ssettag s2;
	_ =	strace s9  }
0x27: {  	s1 =	sld [smem:$0x3FAF]  }
0x28: {  	s2 =	sld [smem:$0x3FB0]  }
0x29: {  	s4 =	sld [smem:$0x3FB2]  }
0x2a: {  	p0 =	seq.s32 s5, $0x0;
	s5 =	sld [smem:$0x3FB3]  }
0x2b: {  	s6 =	sld [smem:$0x3FB4]  }
0x2c: {  	s7 =	sld [smem:$0x3FB5]  }
0x2d: {  	s3 =	simm.s32 $0x108;
	s8 =	sld [smem:$0x3FB6]  }
0x2e: {  	s3 =	simm.s32 @!p0 $0x1082;
	s9 =	sld [smem:$0x3FB7]  }
0x2f: {  	lr =	sadd.s32 s0, s3;
	s0 =	sld [smem:$0x3FAE]  }
0x30: {  	s3 =	sld [smem:$0x3FB1]  }
0x31: {  	[smem:$0x3FBA] =	sst s10  }
0x32: {  	s10 =	sld [smem:$0x3FB8];
	_ =	sdelay $0x3  }
0x33: {  	p0 =	seq.s32 s10, $0x1;
	s10 =	sld [smem:$0x3FBA];
	_ =	sdelay $0x3  }
0x34: {  	[smem:$0x3FBA] =	sst s10  }
0x35: {  	s10 =	sld [smem:$0x3FB9];
	_ =	sdelay $0x3  }
0x36: {  	p1 =	seq.s32 s10, $0x1;
	s10 =	sld [smem:$0x3FBA];
	_ =	sdelay $0x3  }
0x37: {  	[smem:$0x3FBA] =	sst s10  }
0x38: {  	s10 =	sld [smem:$0x3FBB]  }
0x39: {  	_ = 	snop;
	(pc) =	sbr.ind lr, $3  }
0x3a: {  	_ = 	snop  }
0x3b: {  	_ = 	snop  }
0x3c: {  	p2 =	seq.s32 s10, $0x1;
	s10 =	sld [smem:$0x3FBA]  }
0x3d: {  	_ =	shalt  }
0x3e: {  	_ =	shalt  }
0x3f: {  	_ =	shalt  }
0x40: {  	_ =	shalt  }
0x41: {  	_ =	shalt  }
0x42: {  	_ =	shalt  }
0x43: {  	_ =	shalt  }
0x44: {  	_ =	shalt  }
0x45: {  	_ =	shalt  }
0x46: {  	_ =	shalt  }
0x47: {  	_ =	shalt  }
0x48: {  	_ =	shalt  }
0x49: {  	_ =	shalt  }
0x4a: {  	_ =	shalt  }
0x4b: {  	_ =	shalt  }
0x4c: {  	_ =	shalt  }
0x4d: {  	_ =	shalt  }
0x4e: {  	_ =	shalt  }
0x4f: {  	_ =	shalt  }
0x50: {  	_ =	shalt  }
0x51: {  	_ =	shalt  }
0x52: {  	_ =	shalt  }
0x53: {  	_ =	shalt  }
0x54: {  	_ =	shalt  }
0x55: {  	_ =	shalt  }
0x56: {  	_ =	shalt  }
0x57: {  	_ =	shalt  }
0x58: {  	_ =	shalt  }
0x59: {  	_ =	shalt  }
0x5a: {  	_ =	shalt  }
0x5b: {  	_ =	shalt  }
0x5c: {  	_ =	shalt  }
0x5d: {  	_ =	shalt  }
0x5e: {  	_ =	shalt  }
0x5f: {  	_ =	shalt  }
0x60: {  	_ =	shalt  }
0x61: {  	_ =	shalt  }
0x62: {  	_ =	shalt  }
0x63: {  	_ =	shalt  }
0x64: {  	_ =	shalt  }
0x65: {  	_ =	shalt  }
0x66: {  	_ =	shalt  }
0x67: {  	_ =	shalt  }
0x68: {  	_ =	shalt  }
0x69: {  	_ =	shalt  }
0x6a: {  	_ =	shalt  }
0x6b: {  	_ =	shalt  }
0x6c: {  	_ =	shalt  }
0x6d: {  	_ =	shalt  }
0x6e: {  	_ =	shalt  }
0x6f: {  	_ =	shalt  }
0x70: {  	_ =	shalt  }
0x71: {  	_ =	shalt  }
0x72: {  	_ =	shalt  }
0x73: {  	_ =	shalt  }
0x74: {  	_ =	shalt  }
0x75: {  	_ =	shalt  }
0x76: {  	_ =	shalt  }
0x77: {  	_ =	shalt  }
0x78: {  	_ =	shalt  }
0x79: {  	_ =	shalt  }
0x7a: {  	_ =	shalt  }
0x7b: {  	_ =	shalt  }
0x7c: {  	_ =	shalt  }
0x7d: {  	_ =	shalt  }
0x7e: {  	_ =	shalt  }
0x7f: {  	_ =	shalt  }
0x80: {  	_ =	shalt  }
0x81: {  	_ =	shalt  }
0x82: {  	_ =	shalt  }
0x83: {  	_ =	shalt  }
0x84: {  	_ =	shalt  }
0x85: {  	_ =	shalt  }
0x86: {  	_ =	shalt  }
0x87: {  	_ =	shalt  }
.Lfunc_end0:
.L_simem_size_0:
called_computation_lowered:
.L_overlay_start_0:
0x88: {  	s2 =	sld [smem:$0x3FD9]  }
0x89: {  	s3 =	sld [smem:$0x3FFE];
	_ =	sdelay $0x1  }
0x8a: {  	s1 =	srdreg.scid  }
0x8b: {  	s0 =	sand.u32 $0x1, s1  }
0x8c: {  	s17 =	sshll.u32 s0, $0xA;
	s2 =	sadd.s32 s3, s2  }
0x8d: {  	s2 =	sadd.s32 s2, s17  }
0x8e: {  	[smem:$0x3FC6] =	sst s2  }
0x8f: {  	_ = 	snop  }
0x90: {  	s2 =	sld [smem:$0x3FC8];
	(tm) =	ssettm $0x1  }
0x91: {  	s18 =	sld [smem:$0x3FFB];
	_ =	sdelay $0x3  }
0x92: {  	_ =	strace s18  }
0x93: {  	s3 =	sld [smem:$0x3FFC];
	_ =	sdelay $0x3  }
0x94: {  	_ =	strace s3  }
0x95: {  	s3 =	sld [smem:$0x3FFD];
	_ =	sdelay $0x3  }
0x96: {  	_ =	strace s3  }
0x97: {  	_ =	strace $0x8FFFFFFF  }
0x98: {  	s19 =	sld [smem:$0x3FDB];
	_ =	sdelay $0x1  }
0x99: {  	s4 =	simm.s32 $_scs_section_size  }
0x9a: {  	s5 =	simm.s32 $_size__tile_overlayer_lowered;
	s6 =	simm.s32 $_tile_overlayer_lowered  }
0x9b: {  	s22 =	simm.s32 $0x1BFF;
	s21 =	sshll.u32 s6, $0x1;
	s3 =	sadd.s32 s4, s19  }
0x9c: {  	s7 =	simm.s32 $0x0;
	s20 =	sshll.u32 s5, $0x1;
	s5 =	sadd.s32 s21, s3  }
0x9d: {  	[timem:s7], [sflag:s22] =	dma.local [hbm:s5], s20  }
0x9e: {  	_ =	swait.ge [sflag:s22], s20  }
0x9f: {  	s4 =	ssub.s32 $0x0, s20;
	[sflag:s22] =	ssyncset.done $0x0  }
0xa0: {  	[sflag:s22] =	ssyncadd.s32 s4;
	_ =	sdelay $0x1  }
0xa1: {  	s23 =	simm.s32 $0x1B8B  }
0xa2: {  	_ =	swait.ge [sflag:s23], $0x1  }
0xa3: {  	[sflag:s23] =	ssyncset.done $0x0  }
0xa4: {  	s25 =	simm.s32 $0x1B8E;
	s24 =	sld [smem:$0x3FFE];
	[sflag:s23] =	ssyncadd.s32 $0xFFFFFFFF  }
0xa5: {  	s26 =	simm.s32 $execute0_lowered;
	[smem:$0x3FD2] =	sst s25  }
0xa6: {  	s5 =	sshll.u32 s26, $0x1;
	_ =	strace $0x80000046;
	[dreg:$0x1] =	wrdreg $0xFFFFFFFF  }
0xa7: {  	s28 =	simm.s32 $_size_execute0_lowered;
	s3 =	sadd.s32 s3, s5;
	[dreg:$0x0] =	wrdreg $0x0  }
0xa8: {  	s5 =	sshll.u32 s28, $0x1;
	[dreg:$0x2] =	wrdreg s3  }
0xa9: {  	[dreg:$0x3] =	wrdreg s5  }
0xaa: {  	[dreg:$0x4] =	wrdreg $0xC0  }
0xab: {  	_ =	task [dreg:s7], $0x5FFFF  }
0xac: {  	[dreg:$0x1] =	wrdreg $0xFFFFFFFF  }
0xad: {  	[dreg:$0x0] =	wrdreg $0x60  }
0xae: {  	[dreg:$0x2] =	wrdreg s24  }
0xaf: {  	[dreg:$0x3] =	wrdreg s2  }
0xb0: {  	[dreg:$0x4] =	wrdreg $0x9  }
0xb1: {  	_ =	task.clear_ibuf [dreg:s7], $0x5FFFF;
	_ =	strace $0x90000046  }
0xb2: {  	s29 =	simm.s32 $0x9;
	_ =	strace $0x80000048  }
0xb3: {  	_ =	swait.ge [sflag:s29], $0x1  }
0xb4: {  	[sflag:s29] =	ssyncadd.s32 $0xFFFFFFFF  }
0xb5: {  	_ =	strace $0x90000048  }
0xb6: {  	_ =	sfence  }
0xb7: {  	s30 =	sld [smem:$0x0];
	_ =	sdelay $0x2  }
0xb8: {  	s31 =	sshll.u32 s1, $0xD;
	s1 =	sshrl.u32 s1, $0x2  }
0xb9: {  	s3 =	sand.u32 $0x4000, s31;
	s1 =	sadd.s32 s1, s30  }
0xba: {  	s0 =	sor.u32 s3, s0;
	s1 =	sshll.u32 s1, $0x11  }
0xbb: {  	s0 =	sor.u32 s1, s0  }
0xbc: {  	s0 =	sadd.s32 $0x8F2B, s0  }
0xbd: {  	[sflag:s0] =	ssyncadd.remote.s32 $0x1  }
0xbe: {  	_ =	sfence.sel $0xFFFF  }
0xbf: {  	[dreg:$0x0] =	wrdreg $0xFFFFFFFF;
	(pc) =	sbr.abs _section_cstart, $3  }
0xc0: {  	[dreg:$0x1] =	wrdreg $0xFFFFFFFF  }
0xc1: {  	_ =	task.clear_ibuf [dreg:s7], $0x2FFFF;
	_ =	strace $0x9FFFFFFF  }
0xc2: {  	(tm) =	ssettm $0x7FFFFFFF  }
0xc3: {  	_ =	shalt  }
tec
execute0_lowered:
.L_overlay_start_1:
0x0: {  	(tag) =	ssettag $0x1  }
0x1: {  	v0 =	vimm.s32 $0x2380;
	vm0 =	vcmask $0x300;
	v1 =	vimm.s32 $0x6380  }
0x2: {  	vm1 =	vcmask $0x704;
	v0 =	vsel vm0, $0x0, v0;
	v1 =	vsel vm0, $0x4000, v1  }
0x3: {  	vm15 =	vcmask $0xB08;
	v0 =	vsel vm1, $0x80, v0;
	v1 =	vsel vm1, $0x4080, v1  }
0x4: {  	vm4 =	vcmask $0xF0C;
	v0 =	vsel vm15, $0x100, v0;
	v1 =	vsel vm15, $0x4100, v1  }
0x5: {  	vm5 =	vcmask $0x1310;
	v0 =	vsel vm4, $0x180, v0;
	v1 =	vsel vm4, $0x4180, v1  }
0x6: {  	s3 =	rddreg [dreg:$0x0];
	vm6 =	vcmask $0x1714;
	v0 =	vsel vm5, $0x200, v0;
	v1 =	vsel vm5, $0x4200, v1  }
0x7: {  	s4 =	rddreg [dreg:$0x1];
	vm7 =	vcmask $0x1B18;
	v0 =	vsel vm6, $0x280, v0;
	v1 =	vsel vm6, $0x4280, v1  }
0x8: {  	s0 =	rddreg [dreg:$0x2];
	vm8 =	vcmask $0x1F1C;
	v0 =	vsel vm7, $0x300, v0;
	v1 =	vsel vm7, $0x4300, v1  }
0x9: {  	s5 =	srdreg.scid;
	s1 =	stileid.u32;
	s2 =	simm.s32 $0x0;
	vm9 =	vcmask $0x2320;
	v0 =	vsel vm8, $0x380, v0;
	v1 =	vsel vm8, $0x4380, v1  }
0xa: {  	vm10 =	vcmask $0x2724;
	s5 =	sand.u32 $0x1, s5;
	s6 =	sshll.u32 s1, $0x1;
	[smem:$0x7FF] =	sst s2;
	v0 =	vsel vm9, $0x2000, v0;
	v1 =	vsel vm9, $0x6000, v1  }
0xb: {  	vm11 =	vcmask $0x2B28;
	s10 =	simm.s32 $0x0;
	s6 =	sor.u32 s5, s6;
	_ =	strace $0x80000047;
	v0 =	vsel vm10, $0x2080, v0;
	v1 =	vsel vm10, $0x6080, v1  }
0xc: {  	vm12 =	vcmask $0x2F2C;
	s5 =	ssub.s32 $0x2, s5;
	s7 =	sshll.u32 s6, $0xE;
	s8 =	sshll.u32 s6, $0x5;
	v0 =	vsel vm11, $0x2100, v0;
	v1 =	vsel vm11, $0x6100, v1  }
0xd: {  	vm13 =	vcmask $0x3330;
	s31 =	sshrl.u32 s5, $0x1;
	s6 =	sshll.u32 s6, $0x4;
	s7 =	sadd.s32 s7, s3;
	v0 =	vsel vm12, $0x2180, v0;
	v1 =	vsel vm12, $0x6180, v1  }
0xe: {  	vm14 =	vcmask $0x3734;
	s8 =	sadd.s32 s8, s3;
	s9 =	ssub.s32 s5, s31;
	s3 =	sadd.s32 s4, s6;
	v0 =	vsel vm13, $0x2200, v0;
	v1 =	vsel vm13, $0x6200, v1  }
0xf: {  	vm15 =	vcmask $0x3B38;
	s4 =	sadd.s32 $0x400, s7;
	s5 =	sadd.s32 $0x200400, s8;
	s6 =	smax.u32 s9, $0x1;
	v0 =	vsel vm14, $0x2280, v0;
	v2 =	vsel vm14, $0x6280, v1  }
0x10: {  	s7 =	simm.s32 $0x8000;
	s8 =	simm.s32 $0x1;
	s9 =	simm.s32 $0x8080;
	v1 =	vimm.f32 $-1.000000000e+00;
	v0 =	vsel vm15, $0x2300, v0;
	v2 =	vsel vm15, $0x6300, v2  }
.LBB2_1:
0x11: {  	[tilespmem:s7], [sflag:$0x1] =	stream.linear.gather [hbm4b:s3+s2], $0x80, $0x38;
	[tilespmem:$0x8180] =	vst v63  }
0x12: {  	_ =	swait.ge [sflag:s8], $0x80  }
0x13: {  	[sflag:s8] =	ssyncset.done $0x0  }
0x14: {  	v3 =	vimm.f32 $2.000000000e+00;
	v6 =	vimm.f32 $-1.000000000e+00;
	s11 =	simm.s32 $0x0;
	[sflag:s8] =	ssyncadd.s32 $0xFFFFFF80  }
.LBB2_2:
0x15: {  	s12 =	sshll.u32 s11, $0xC  }
0x16: {  	s13 =	sadd.s32 s12, s4;
	s12 =	simm.s32 $0x0  }
0x17: {  	[tilespmem:s12], [sflag:$0x1] =	stream.linear.gather [hbm4b:s13+s12], $0x8000, $0x38;
	[tilespmem:$0x8180] =	vst v63  }
0x18: {  	_ =	swait.ge [sflag:s8], $0x8000  }
0x19: {  	s22 =	sshll.u32 s11, $0x5;
	[sflag:s8] =	ssyncset.done $0x0  }
0x1a: {  	s13 =	sand.u32 $0x3FFFFFE0, s22;
	[sflag:s8] =	ssyncadd.s32 $0xFFFF8000  }
0x1b: {  	v4 =	vld [tilespmem:s13+$0x8000];
	_ =	sdelay $0x4  }
0x1c: {  	v5 =	vshll.u32 v4, $0x3  }
0x1d: {  	v4 =	vand.u32 $0x7F, v4;
	v5 =	vand.u32 $0xFFFFFC00, v5  }
0x1e: {  	v4 =	vor.u32 v4, v5  }
0x1f: {  	v5 =	vadd.s32 v0, v4;
	_ =	sdelay $0x4  }
0x20: {  	v4 =	vld.idx.msk [tilespmem:v5+s12+$0x0], $0xffff;
	[tilespmem:v5+s12+$0x0] =	vst.idx.msk $0xffff, v1  }
0x21: {  	v5 =	vld [tilespmem:s13+$0x8010];
	_ =	sdelay $0x4  }
0x22: {  	v7 =	vshll.u32 v5, $0x3  }
0x23: {  	v5 =	vand.u32 $0x7F, v5;
	v7 =	vand.u32 $0xFFFFFC00, v7  }
0x24: {  	v5 =	vor.u32 v5, v7  }
0x25: {  	v7 =	vadd.s32 v2, v5;
	_ =	sdelay $0x2  }
0x26: {  	s23 =	simm.s32 $0x0  }
0x27: {  	s14 =	sand.u32 $0x380, s12;
	s13 =	sand.u32 $0x6000, s23  }
0x28: {  	s13 =	sor.u32 s14, s13;
	v5 =	vld.idx.msk [tilespmem:v7+s12+$0x0], $0xffff;
	[tilespmem:v7+s12+$0x0] =	vst.idx.msk $0xffff, v1  }
0x29: {  	v7 =	vld [tilespmem:s13+$0x0]  }
0x2a: {  	v8 =	vld [tilespmem:s13+$0x10]  }
0x2b: {  	v9 =	vld [tilespmem:s13+$0x20]  }
0x2c: {  	v10 =	vld [tilespmem:s13+$0x30]  }
0x2d: {  	v11 =	vld [tilespmem:s13+$0x40]  }
0x2e: {  	v6 =	vmax.f32 v6, v7;
	v7 =	vld [tilespmem:s13+$0x50]  }
0x2f: {  	v6 =	vmax.f32 v6, v8;
	v8 =	vld [tilespmem:s13+$0x60]  }
0x30: {  	v6 =	vmax.f32 v6, v9;
	v9 =	vld [tilespmem:s13+$0x70]  }
0x31: {  	v6 =	vmax.f32 v6, v10;
	v10 =	vld [tilespmem:s13+$0x400]  }
0x32: {  	v6 =	vmax.f32 v6, v11;
	v11 =	vld [tilespmem:s13+$0x410]  }
0x33: {  	v6 =	vmax.f32 v6, v7;
	v7 =	vld [tilespmem:s13+$0x420]  }
0x34: {  	v6 =	vmax.f32 v6, v8;
	v8 =	vld [tilespmem:s13+$0x430]  }
0x35: {  	v6 =	vmax.f32 v6, v9;
	v9 =	vld [tilespmem:s13+$0x440]  }
0x36: {  	v6 =	vmax.f32 v6, v10;
	v10 =	vld [tilespmem:s13+$0x450]  }
0x37: {  	v6 =	vmax.f32 v6, v11;
	v11 =	vld [tilespmem:s13+$0x460]  }
0x38: {  	v6 =	vmax.f32 v6, v7;
	v7 =	vld [tilespmem:s13+$0x470]  }
0x39: {  	v6 =	vmax.f32 v6, v8;
	v8 =	vld [tilespmem:s13+$0x800]  }
0x3a: {  	v6 =	vmax.f32 v6, v9;
	v9 =	vld [tilespmem:s13+$0x810]  }
0x3b: {  	v6 =	vmax.f32 v6, v10;
	v10 =	vld [tilespmem:s13+$0x820]  }
0x3c: {  	v6 =	vmax.f32 v6, v11;
	v11 =	vld [tilespmem:s13+$0x830]  }
0x3d: {  	v6 =	vmax.f32 v6, v7;
	v7 =	vld [tilespmem:s13+$0x840]  }
0x3e: {  	v6 =	vmax.f32 v6, v8;
	v8 =	vld [tilespmem:s13+$0x850]  }
0x3f: {  	v6 =	vmax.f32 v6, v9;
	v9 =	vld [tilespmem:s13+$0x860]  }
0x40: {  	v6 =	vmax.f32 v6, v10;
	v10 =	vld [tilespmem:s13+$0x870]  }
0x41: {  	v6 =	vmax.f32 v6, v11;
	v11 =	vld [tilespmem:s13+$0xC00]  }
0x42: {  	v6 =	vmax.f32 v6, v7;
	v7 =	vld [tilespmem:s13+$0xC10]  }
0x43: {  	v6 =	vmax.f32 v6, v8;
	v8 =	vld [tilespmem:s13+$0xC20]  }
0x44: {  	v6 =	vmax.f32 v6, v9;
	v9 =	vld [tilespmem:s13+$0xC30]  }
0x45: {  	v6 =	vmax.f32 v6, v10;
	v10 =	vld [tilespmem:s13+$0xC40]  }
0x46: {  	v6 =	vmax.f32 v6, v11;
	v11 =	vld [tilespmem:s13+$0xC50]  }
0x47: {  	v6 =	vmax.f32 v6, v7;
	v7 =	vld [tilespmem:s13+$0xC60]  }
0x48: {  	v6 =	vmax.f32 v6, v8;
	v8 =	vld [tilespmem:s13+$0xC70]  }
0x49: {  	v6 =	vmax.f32 v6, v9;
	v9 =	vld [tilespmem:s13+$0x1000]  }
0x4a: {  	v6 =	vmax.f32 v6, v10;
	v10 =	vld [tilespmem:s13+$0x1010]  }
0x4b: {  	v6 =	vmax.f32 v6, v11;
	v11 =	vld [tilespmem:s13+$0x1020]  }
0x4c: {  	v6 =	vmax.f32 v6, v7;
	v7 =	vld [tilespmem:s13+$0x1030]  }
0x4d: {  	v6 =	vmax.f32 v6, v8;
	v8 =	vld [tilespmem:s13+$0x1040]  }
0x4e: {  	v6 =	vmax.f32 v6, v9;
	v9 =	vld [tilespmem:s13+$0x1050]  }
0x4f: {  	v6 =	vmax.f32 v6, v10;
	v10 =	vld [tilespmem:s13+$0x1060]  }
0x50: {  	v6 =	vmax.f32 v6, v11;
	v11 =	vld [tilespmem:s13+$0x1070]  }
0x51: {  	v6 =	vmax.f32 v6, v7;
	v7 =	vld [tilespmem:s13+$0x1400]  }
0x52: {  	v6 =	vmax.f32 v6, v8;
	v8 =	vld [tilespmem:s13+$0x1410]  }
0x53: {  	v6 =	vmax.f32 v6, v9;
	v9 =	vld [tilespmem:s13+$0x1420]  }
0x54: {  	v6 =	vmax.f32 v6, v10;
	v10 =	vld [tilespmem:s13+$0x1430]  }
0x55: {  	v6 =	vmax.f32 v6, v11;
	v11 =	vld [tilespmem:s13+$0x1440]  }
0x56: {  	v6 =	vmax.f32 v6, v7;
	v7 =	vld [tilespmem:s13+$0x1450]  }
0x57: {  	v6 =	vmax.f32 v6, v8;
	v8 =	vld [tilespmem:s13+$0x1460]  }
0x58: {  	v6 =	vmax.f32 v6, v9;
	v9 =	vld [tilespmem:s13+$0x1470]  }
0x59: {  	v6 =	vmax.f32 v6, v10;
	v10 =	vld [tilespmem:s13+$0x1800]  }
0x5a: {  	v6 =	vmax.f32 v6, v11;
	v11 =	vld [tilespmem:s13+$0x1810]  }
0x5b: {  	v6 =	vmax.f32 v6, v7;
	v7 =	vld [tilespmem:s13+$0x1820]  }
0x5c: {  	v6 =	vmax.f32 v6, v8;
	v8 =	vld [tilespmem:s13+$0x1830]  }
0x5d: {  	s24 =	sand.u32 $0x7, s12;
	v6 =	vmax.f32 v6, v9;
	v9 =	vld [tilespmem:s13+$0x1840]  }
0x5e: {  	s14 =	sshll.u32 s24, $0x7;
	v6 =	vmax.f32 v6, v10;
	v10 =	vld [tilespmem:s13+$0x1850]  }
0x5f: {  	s17 =	sadd.s32 $0x0, s14;
	v6 =	vmax.f32 v6, v11;
	v11 =	vld [tilespmem:s13+$0x1860]  }
0x60: {  	s25 =	sor.u32 $0x1C00, s17;
	v12 =	vld [tilespmem:s13+$0x1870];
	v6 =	vmax.f32 v6, v7  }
0x61: {  	s26 =	sor.u32 $0x1C10, s17;
	v6 =	vmax.f32 v6, v8;
	v8 =	vld [tilespmem:s25+$0x0]  }
0x62: {  	s29 =	sor.u32 $0x1C20, s17;
	v7 =	vmax.f32 v6, v9;
	v6 =	vld [tilespmem:s26+$0x0]  }
0x63: {  	s28 =	simm.s32 $0x80;
	s18 =	simm.s32 $0x400;
	s30 =	sor.u32 $0x1C30, s17;
	v9 =	vmax.f32 v7, v10;
	v7 =	vld [tilespmem:s29+$0x0]  }
0x64: {  	s15 =	simm.s32 $0x100;
	s16 =	sand.u32 $0x380, s28;
	s31 =	sor.u32 $0x1C40, s17;
	v10 =	vmax.f32 v9, v11;
	v9 =	vld [tilespmem:s30+$0x0]  }
0x65: {  	s14 =	simm.s32 $0xFFFF8400;
	s19 =	sor.u32 $0x1C50, s17;
	s13 =	simm.s32 $0x0;
	v11 =	vmax.f32 v10, v12;
	v10 =	vld [tilespmem:s31+$0x0]  }
.LBB2_3:
0x66: {  	p0 =	sne.s32 s15, $0xF80;
	s18 =	sand.u32 $0x6000, s18;
	v8 =	vmax.f32 v11, v8;
	v11 =	vld [tilespmem:s19+$0x0];
	s17 =	sor.u32 $0x1C58, s17  }
0x67: {  	s16 =	sor.u32 s16, s18;
	v6 =	vmax.f32 v8, v6;
	v8 =	vld [tilespmem:s17+$0x0]  }
0x68: {  	v12 =	vld [tilespmem:s16+$0x0];
	v6 =	vmax.f32 v6, v7  }
0x69: {  	v7 =	vld [tilespmem:s16+$0x10];
	v6 =	vmax.f32 v6, v9  }
0x6a: {  	v9 =	vld [tilespmem:s16+$0x20];
	v6 =	vmax.f32 v6, v10  }
0x6b: {  	v10 =	vld [tilespmem:s16+$0x30];
	v6 =	vmax.f32 v6, v11  }
0x6c: {  	v11 =	vld [tilespmem:s16+$0x40];
	v6 =	vmax.f32 v6, v8  }
0x6d: {  	v6 =	vmax.f32 v6, v12;
	v8 =	vld [tilespmem:s16+$0x50]  }
0x6e: {  	v6 =	vmax.f32 v6, v7;
	v7 =	vld [tilespmem:s16+$0x60]  }
0x6f: {  	v6 =	vmax.f32 v6, v9;
	v9 =	vld [tilespmem:s16+$0x70]  }
0x70: {  	v6 =	vmax.f32 v6, v10;
	v10 =	vld [tilespmem:s16+$0x400]  }
0x71: {  	v6 =	vmax.f32 v6, v11;
	v11 =	vld [tilespmem:s16+$0x410]  }
0x72: {  	v6 =	vmax.f32 v6, v8;
	v8 =	vld [tilespmem:s16+$0x420]  }
0x73: {  	v6 =	vmax.f32 v6, v7;
	v7 =	vld [tilespmem:s16+$0x430]  }
0x74: {  	v6 =	vmax.f32 v6, v9;
	v9 =	vld [tilespmem:s16+$0x440]  }
0x75: {  	v6 =	vmax.f32 v6, v10;
	v10 =	vld [tilespmem:s16+$0x450]  }
0x76: {  	v6 =	vmax.f32 v6, v11;
	v11 =	vld [tilespmem:s16+$0x460]  }
0x77: {  	v6 =	vmax.f32 v6, v8;
	v8 =	vld [tilespmem:s16+$0x470]  }
0x78: {  	v6 =	vmax.f32 v6, v7;
	v7 =	vld [tilespmem:s16+$0x800]  }
0x79: {  	v6 =	vmax.f32 v6, v9;
	v9 =	vld [tilespmem:s16+$0x810]  }
0x7a: {  	v6 =	vmax.f32 v6, v10;
	v10 =	vld [tilespmem:s16+$0x820]  }
0x7b: {  	v6 =	vmax.f32 v6, v11;
	v11 =	vld [tilespmem:s16+$0x830]  }
0x7c: {  	v6 =	vmax.f32 v6, v8;
	v8 =	vld [tilespmem:s16+$0x840]  }
0x7d: {  	v6 =	vmax.f32 v6, v7;
	v7 =	vld [tilespmem:s16+$0x850]  }
0x7e: {  	v6 =	vmax.f32 v6, v9;
	v9 =	vld [tilespmem:s16+$0x860]  }
0x7f: {  	v6 =	vmax.f32 v6, v10;
	v10 =	vld [tilespmem:s16+$0x870]  }
0x80: {  	v6 =	vmax.f32 v6, v11;
	v11 =	vld [tilespmem:s16+$0xC00]  }
0x81: {  	v6 =	vmax.f32 v6, v8;
	v8 =	vld [tilespmem:s16+$0xC10]  }
0x82: {  	v6 =	vmax.f32 v6, v7;
	v7 =	vld [tilespmem:s16+$0xC20]  }
0x83: {  	v6 =	vmax.f32 v6, v9;
	v9 =	vld [tilespmem:s16+$0xC30]  }
0x84: {  	v6 =	vmax.f32 v6, v10;
	v10 =	vld [tilespmem:s16+$0xC40]  }
0x85: {  	v6 =	vmax.f32 v6, v11;
	v11 =	vld [tilespmem:s16+$0xC50]  }
0x86: {  	v6 =	vmax.f32 v6, v8;
	v8 =	vld [tilespmem:s16+$0xC60]  }
0x87: {  	v6 =	vmax.f32 v6, v7;
	v7 =	vld [tilespmem:s16+$0xC70]  }
0x88: {  	v6 =	vmax.f32 v6, v9;
	v9 =	vld [tilespmem:s16+$0x1000]  }
0x89: {  	v6 =	vmax.f32 v6, v10;
	v10 =	vld [tilespmem:s16+$0x1010]  }
0x8a: {  	v6 =	vmax.f32 v6, v11;
	v11 =	vld [tilespmem:s16+$0x1020]  }
0x8b: {  	v6 =	vmax.f32 v6, v8;
	v8 =	vld [tilespmem:s16+$0x1030]  }
0x8c: {  	v6 =	vmax.f32 v6, v7;
	v7 =	vld [tilespmem:s16+$0x1040]  }
0x8d: {  	v6 =	vmax.f32 v6, v9;
	v9 =	vld [tilespmem:s16+$0x1050]  }
0x8e: {  	v6 =	vmax.f32 v6, v10;
	v10 =	vld [tilespmem:s16+$0x1060]  }
0x8f: {  	v6 =	vmax.f32 v6, v11;
	v11 =	vld [tilespmem:s16+$0x1070]  }
0x90: {  	v6 =	vmax.f32 v6, v8;
	v8 =	vld [tilespmem:s16+$0x1400]  }
0x91: {  	v6 =	vmax.f32 v6, v7;
	v7 =	vld [tilespmem:s16+$0x1410]  }
0x92: {  	v6 =	vmax.f32 v6, v9;
	v9 =	vld [tilespmem:s16+$0x1420]  }
0x93: {  	v6 =	vmax.f32 v6, v10;
	v10 =	vld [tilespmem:s16+$0x1430]  }
0x94: {  	v6 =	vmax.f32 v6, v11;
	v11 =	vld [tilespmem:s16+$0x1440]  }
0x95: {  	v6 =	vmax.f32 v6, v8;
	v8 =	vld [tilespmem:s16+$0x1450]  }
0x96: {  	v6 =	vmax.f32 v6, v7;
	v7 =	vld [tilespmem:s16+$0x1460]  }
0x97: {  	v6 =	vmax.f32 v6, v9;
	v9 =	vld [tilespmem:s16+$0x1470]  }
0x98: {  	v6 =	vmax.f32 v6, v10;
	v10 =	vld [tilespmem:s16+$0x1800]  }
0x99: {  	v6 =	vmax.f32 v6, v11;
	v11 =	vld [tilespmem:s16+$0x1810]  }
0x9a: {  	v6 =	vmax.f32 v6, v8;
	v8 =	vld [tilespmem:s16+$0x1820]  }
0x9b: {  	s12 =	sadd.s32 $0x1, s12;
	v6 =	vmax.f32 v6, v7;
	v7 =	vld [tilespmem:s16+$0x1830]  }
0x9c: {  	s17 =	sand.u32 $0x7, s12;
	v6 =	vmax.f32 v6, v9;
	v9 =	vld [tilespmem:s16+$0x1840]  }
0x9d: {  	s13 =	sadd.s32 $0x400, s13;
	s17 =	sshll.u32 s17, $0x7;
	v6 =	vmax.f32 v6, v10;
	v10 =	vld [tilespmem:s16+$0x1850]  }
0x9e: {  	s17 =	sadd.s32 s17, s13;
	v6 =	vmax.f32 v6, v11;
	v11 =	vld [tilespmem:s16+$0x1860]  }
0x9f: {  	v6 =	vmax.f32 v6, v8;
	v12 =	vld [tilespmem:s16+$0x1870];
	s16 =	sor.u32 $0x1C00, s17  }
.Ltmp0:
0xa0: {  	v6 =	vmax.f32 v6, v7;
	v8 =	vld [tilespmem:s16+$0x0];
	s16 =	sor.u32 $0x1C10, s17;
	(pc) =	sbr.rel @p0 .LBB2_3-.Ltmp0, $4  }
0xa1: {  	v7 =	vmax.f32 v6, v9;
	v6 =	vld [tilespmem:s16+$0x0];
	s16 =	sor.u32 $0x1C20, s17  }
0xa2: {  	s18 =	sor.u32 $0x1C30, s17;
	v9 =	vmax.f32 v7, v10;
	v7 =	vld [tilespmem:s16+$0x0]  }
0xa3: {  	s14 =	sadd.s32 $0x400, s14;
	s19 =	sor.u32 $0x1C40, s17;
	s16 =	sand.u32 $0x380, s15;
	v10 =	vmax.f32 v9, v11;
	v9 =	vld [tilespmem:s18+$0x0]  }
0xa4: {  	s15 =	sadd.s32 $0x80, s15;
	s18 =	sadd.s32 $0x8000, s14;
	v11 =	vmax.f32 v10, v12;
	v10 =	vld [tilespmem:s19+$0x0];
	s19 =	sor.u32 $0x1C50, s17  }
0xa5: {  	s14 =	sand.u32 $0x6000, s18;
	v8 =	vmax.f32 v11, v8;
	v26 =	vld [tilespmem:s19+$0x0];
	s15 =	sor.u32 $0x1C58, s17  }
0xa6: {  	s14 =	sor.u32 s16, s14;
	v6 =	vmax.f32 v8, v6;
	v8 =	vld [tilespmem:s15+$0x0]  }
0xa7: {  	v12 =	vld [tilespmem:s14+$0x0];
	v6 =	vmax.f32 v6, v7  }
0xa8: {  	v7 =	vld [tilespmem:s14+$0x10];
	v6 =	vmax.f32 v6, v9  }
0xa9: {  	v27 =	vld [tilespmem:s14+$0x20];
	v6 =	vmax.f32 v6, v10  }
0xaa: {  	v28 =	vld [tilespmem:s14+$0x30];
	v6 =	vmax.f32 v6, v26  }
0xab: {  	v29 =	vld [tilespmem:s14+$0x40];
	v6 =	vmax.f32 v6, v8  }
0xac: {  	v8 =	vld [tilespmem:s14+$0x50];
	v6 =	vmax.f32 v6, v12  }
0xad: {  	v6 =	vmax.f32 v6, v7;
	v7 =	vld [tilespmem:s14+$0x60]  }
0xae: {  	v30 =	vld [tilespmem:s14+$0x70];
	v6 =	vmax.f32 v6, v27  }
0xaf: {  	v31 =	vld [tilespmem:s14+$0x400];
	v6 =	vmax.f32 v6, v28  }
0xb0: {  	v32 =	vld [tilespmem:s14+$0x410];
	v6 =	vmax.f32 v6, v29  }
0xb1: {  	v6 =	vmax.f32 v6, v8;
	v8 =	vld [tilespmem:s14+$0x420]  }
0xb2: {  	v6 =	vmax.f32 v6, v7;
	v7 =	vld [tilespmem:s14+$0x430]  }
0xb3: {  	v33 =	vld [tilespmem:s14+$0x440];
	v6 =	vmax.f32 v6, v30  }
0xb4: {  	v34 =	vld [tilespmem:s14+$0x450];
	v6 =	vmax.f32 v6, v31  }
0xb5: {  	v35 =	vld [tilespmem:s14+$0x460];
	v6 =	vmax.f32 v6, v32  }
0xb6: {  	v6 =	vmax.f32 v6, v8;
	v8 =	vld [tilespmem:s14+$0x470]  }
0xb7: {  	v6 =	vmax.f32 v6, v7;
	v7 =	vld [tilespmem:s14+$0x800]  }
0xb8: {  	v36 =	vld [tilespmem:s14+$0x810];
	v6 =	vmax.f32 v6, v33  }
0xb9: {  	v37 =	vld [tilespmem:s14+$0x820];
	v6 =	vmax.f32 v6, v34  }
0xba: {  	v38 =	vld [tilespmem:s14+$0x830];
	v6 =	vmax.f32 v6, v35  }
0xbb: {  	v6 =	vmax.f32 v6, v8;
	v8 =	vld [tilespmem:s14+$0x840]  }
0xbc: {  	v6 =	vmax.f32 v6, v7;
	v7 =	vld [tilespmem:s14+$0x850]  }
0xbd: {  	v39 =	vld [tilespmem:s14+$0x860];
	v6 =	vmax.f32 v6, v36  }
0xbe: {  	v40 =	vld [tilespmem:s14+$0x870];
	v6 =	vmax.f32 v6, v37  }
0xbf: {  	v41 =	vld [tilespmem:s14+$0xC00];
	v6 =	vmax.f32 v6, v38  }
0xc0: {  	v6 =	vmax.f32 v6, v8;
	v8 =	vld [tilespmem:s14+$0xC10]  }
0xc1: {  	v6 =	vmax.f32 v6, v7;
	v7 =	vld [tilespmem:s14+$0xC20]  }
0xc2: {  	v42 =	vld [tilespmem:s14+$0xC30];
	v6 =	vmax.f32 v6, v39  }
0xc3: {  	v43 =	vld [tilespmem:s14+$0xC40];
	v6 =	vmax.f32 v6, v40  }
0xc4: {  	v44 =	vld [tilespmem:s14+$0xC50];
	v6 =	vmax.f32 v6, v41  }
0xc5: {  	v6 =	vmax.f32 v6, v8;
	v8 =	vld [tilespmem:s14+$0xC60]  }
0xc6: {  	v6 =	vmax.f32 v6, v7;
	v7 =	vld [tilespmem:s14+$0xC70]  }
0xc7: {  	v45 =	vld [tilespmem:s14+$0x1000];
	v6 =	vmax.f32 v6, v42  }
0xc8: {  	v46 =	vld [tilespmem:s14+$0x1010];
	v6 =	vmax.f32 v6, v43  }
0xc9: {  	v47 =	vld [tilespmem:s14+$0x1020];
	v6 =	vmax.f32 v6, v44  }
0xca: {  	v6 =	vmax.f32 v6, v8;
	v8 =	vld [tilespmem:s14+$0x1030]  }
0xcb: {  	v6 =	vmax.f32 v6, v7;
	v7 =	vld [tilespmem:s14+$0x1040]  }
0xcc: {  	v48 =	vld [tilespmem:s14+$0x1050];
	v6 =	vmax.f32 v6, v45  }
0xcd: {  	v49 =	vld [tilespmem:s14+$0x1060];
	v6 =	vmax.f32 v6, v46  }
0xce: {  	v50 =	vld [tilespmem:s14+$0x1070];
	v6 =	vmax.f32 v6, v47  }
0xcf: {  	v6 =	vmax.f32 v6, v8;
	v8 =	vld [tilespmem:s14+$0x1400]  }
0xd0: {  	v6 =	vmax.f32 v6, v7;
	v7 =	vld [tilespmem:s14+$0x1410]  }
0xd1: {  	v51 =	vld [tilespmem:s14+$0x1420];
	v6 =	vmax.f32 v6, v48  }
0xd2: {  	v52 =	vld [tilespmem:s14+$0x1430];
	v6 =	vmax.f32 v6, v49  }
0xd3: {  	v53 =	vld [tilespmem:s14+$0x1440];
	v6 =	vmax.f32 v6, v50  }
0xd4: {  	v6 =	vmax.f32 v6, v8;
	v8 =	vld [tilespmem:s14+$0x1450]  }
0xd5: {  	v6 =	vmax.f32 v6, v7;
	v7 =	vld [tilespmem:s14+$0x1460]  }
0xd6: {  	v54 =	vld [tilespmem:s14+$0x1470];
	v6 =	vmax.f32 v6, v51  }
0xd7: {  	v55 =	vld [tilespmem:s14+$0x1800];
	v6 =	vmax.f32 v6, v52  }
0xd8: {  	v56 =	vld [tilespmem:s14+$0x1810];
	v6 =	vmax.f32 v6, v53  }
0xd9: {  	v6 =	vmax.f32 v6, v8;
	v8 =	vld [tilespmem:s14+$0x1820]  }
0xda: {  	s12 =	sadd.s32 $0x1, s12;
	v6 =	vmax.f32 v6, v7;
	v7 =	vld [tilespmem:s14+$0x1830]  }
0xdb: {  	s12 =	sand.u32 $0x7, s12;
	v57 =	vld [tilespmem:s14+$0x1840];
	v6 =	vmax.f32 v6, v54  }
0xdc: {  	s13 =	sadd.s32 $0x400, s13;
	s12 =	sshll.u32 s12, $0x7;
	v58 =	vld [tilespmem:s14+$0x1850];
	v6 =	vmax.f32 v6, v55  }
0xdd: {  	v59 =	vld [tilespmem:s14+$0x1860];
	s12 =	sadd.s32 s12, s13;
	v6 =	vmax.f32 v6, v56  }
0xde: {  	s13 =	sor.u32 $0x1C00, s12;
	v6 =	vmax.f32 v6, v8;
	v8 =	vld [tilespmem:s14+$0x1870]  }
0xdf: {  	s26 =	sor.u32 $0x1C10, s12;
	v6 =	vmax.f32 v6, v7;
	v7 =	vld [tilespmem:s13+$0x0]  }
0xe0: {  	s28 =	sor.u32 $0x1C20, s12;
	v60 =	vld [tilespmem:s26+$0x0];
	v6 =	vmax.f32 v6, v57  }
0xe1: {  	s29 =	sor.u32 $0x1C30, s12;
	v61 =	vld [tilespmem:s28+$0x0];
	v6 =	vmax.f32 v6, v58  }
0xe2: {  	s30 =	sor.u32 $0x1C40, s12;
	v62 =	vld [tilespmem:s29+$0x0];
	v6 =	vmax.f32 v6, v59  }
0xe3: {  	s31 =	sor.u32 $0x1C50, s12;
	v6 =	vmax.f32 v6, v8;
	v8 =	vld [tilespmem:s30+$0x0]  }
0xe4: {  	s11 =	sadd.s32 $0x1, s11;
	s12 =	sor.u32 $0x1C58, s12;
	v6 =	vmax.f32 v6, v7;
	v7 =	vld [tilespmem:s31+$0x0]  }
0xe5: {  	p0 =	sne.s32 s11, $0x4;
	v63 =	vld [tilespmem:s12+$0x0];
	v6 =	vmax.f32 v6, v60  }
.Ltmp1:
0xe6: {  	v6 =	vmax.f32 v6, v61;
	(pc) =	sbr.rel @p0 .LBB2_2-.Ltmp1, $4  }
0xe7: {  	v6 =	vmax.f32 v6, v62  }
0xe8: {  	v6 =	vmax.f32 v6, v8  }
0xe9: {  	v3 =	vmin.f32 v3, v4;
	v6 =	vmax.f32 v6, v7  }
0xea: {  	v3 =	vmin.f32 v3, v5;
	v6 =	vmax.f32 v6, v63  }
0xeb: {  	v3 =	vsub.f32 $0.0e+00, v3;
	s10 =	sadd.s32 $0x1, s10  }
0xec: {  	[tilespmem:$0x8100] =	vst v6;
	p0 =	sne.s32 s10, s6  }
.Ltmp2:
0xed: {  	[tilespmem:$0x8080] =	vst v3;
	(pc) =	sbr.rel @p0 .LBB2_1-.Ltmp2, $4  }
0xee: {  	[hbm4b:s5+s2] =	stream.linear.scatter [tilespmem:s9], [sflag:$0x1], $0x100, $0x38;
	[tilespmem:$0x8180] =	vst v63  }
0xef: {  	_ =	swait.ge [sflag:s8], $0x100  }
0xf0: {  	[sflag:s8] =	ssyncset.done $0x0  }
0xf1: {  	[sflag:s8] =	ssyncadd.s32 $0xFFFFFF00  }
0xf2: {  	_ =	sfence.sel $0x180000  }
0xf3: {  	[bflag:$0x0] =	sbarrier.arrive $0xFFFF  }
0xf4: {  	p0 =	sne.s32 s1, $0x0;
	_ =	strace $0x90000047  }
0xf5: {  	s0 =	sadd.s32 @!p0 $0x100000, s0;
	[bflag:$0x2] =	sbarrier.arrive $0xFFFF  }
0xf6: {  	[sflag:s0] =	ssyncadd.tile.s32 @!p0 $0x1;
	_ =	shalt  }
.Lfunc_end2:
_tile_overlayer_lowered:
.L_overlay_start_2:
0xf7: {  	(tag) =	ssettag $0x2  }
0xf8: {  	s0 =	rddreg [dreg:$0x0];
	s2 =	stileid.u32  }
0xf9: {  	s1 =	rddreg [dreg:$0x1];
	p0 =	sne.s32 s2, $0x0  }
0xfa: {  	s3 =	rddreg [dreg:$0x2];
	[bflag:$0x3] =	sbarrier.arrive $0xFFFF;
	s2 =	simm.s32 @!p0 $0x1C01  }
0xfb: {  	[timem:s3], [sflag:s2] =	dma.local @!p0 [hbm:s0], s1  }
0xfc: {  	s0 =	simm.s32 @!p0 $0x1  }
0xfd: {  	_ =	swait.ge @!p0 [sflag:s0], s1  }
0xfe: {  	s1 =	ssub.s32 @!p0 $0x0, s1;
	[sflag:s0] =	ssyncset.done @!p0 $0x0  }
0xff: {  	[sflag:s0] =	ssyncadd.s32 @!p0 s1  }
0x100: {  	[bflag:$0x3] =	sbarrier.arrive $0xFFFF  }
0x101: {  	_ =	shalt  }

</sc_bundles>
